<compile_context>
chip_gen: v7x
topology: tpu7x:2x2x1
jax: 0.10.2.dev20260603
libtpu: 0.0.44.dev20260713+nightly
codegen_flags: <defaults>
</compile_context>

<pallas_src>
import functools

import jax
import jax.numpy as jnp
from jax import lax
from jax.experimental import pallas as pl
from jax.experimental.pallas import tpu as pltpu
from jax.experimental.pallas import tpu_sc as plsc

GAMMA_CONST = 12.0
EPS = 1e-12


def _normalize_body(x_ref, o_ref):
    v = x_ref[...]
    n = jnp.sqrt(jnp.sum(v * v, axis=1, keepdims=True))
    o_ref[...] = v / jnp.maximum(n, EPS)


def _normalize_rows(x):
    n_nodes, d = x.shape
    return pl.pallas_call(
        _normalize_body,
        out_shape=jax.ShapeDtypeStruct((n_nodes, d), jnp.float32),
    )(x)


def _make_sc_scorer(n_nodes, d, e_total):
    info = plsc.get_sparse_core_info()
    nc, ns, lanes = info.num_cores, info.num_subcores, info.num_lanes
    nw = nc * ns
    assert e_total % nw == 0
    epw = e_total // nw
    ch = 80
    assert epw % ch == 0
    n_chunks = epw // ch
    n_seg = d // lanes

    mesh = plsc.VectorSubcoreMesh(core_axis_name="c", subcore_axis_name="s")

    buf_types = [
        pltpu.VMEM((ch, d), jnp.float32),
        pltpu.VMEM((ch, d), jnp.float32),
        pltpu.VMEM((ch, 2 * d), jnp.float32),
        pltpu.SemaphoreType.DMA,
        pltpu.SemaphoreType.DMA,
        pltpu.SemaphoreType.DMA,
    ]

    @functools.partial(
        pl.kernel,
        mesh=mesh,
        compiler_params=pltpu.CompilerParams(needs_layout_passes=False),
        out_type=jax.ShapeDtypeStruct((e_total,), jnp.float32),
        scratch_types=[
            pltpu.VMEM((epw,), jnp.int32),
            pltpu.VMEM((epw,), jnp.int32),
            pltpu.VMEM((epw,), jnp.float32),
        ] + buf_types + buf_types,
    )
    def scorer(xn_hbm, src_hbm, dst_hbm, rel_hbm, out_hbm,
               src_v, dst_v, out_v,
               head0, tail0, rel0, sh0, st0, sr0,
               head1, tail1, rel1, sh1, st1, sr1):
        wid = lax.axis_index("s") * nc + lax.axis_index("c")
        base = wid * epw
        pltpu.sync_copy(src_hbm.at[pl.ds(base, epw)], src_v)
        pltpu.sync_copy(dst_hbm.at[pl.ds(base, epw)], dst_v)
        bufs = ((head0, tail0, rel0, sh0, st0, sr0),
                (head1, tail1, rel1, sh1, st1, sr1))

        def copies(off, buf):
            head_b, tail_b, rel_b, sh, st, sr = buf
            return (
                pltpu.make_async_copy(
                    rel_hbm.at[pl.ds(base + off, ch)], rel_b, sr),
                pltpu.make_async_copy(
                    xn_hbm.at[src_v.at[pl.ds(off, ch)]], head_b, sh),
                pltpu.make_async_copy(
                    xn_hbm.at[dst_v.at[pl.ds(off, ch)]], tail_b, st),
            )

        def issue(off, buf):
            for cp in copies(off, buf):
                cp.start()

        def compute(off, buf):
            head_b, tail_b, rel_b, _, _, _ = buf
            lane_ids = lax.iota(jnp.int32, 16)

            def group_body(g, _):
                def edge_body(e16, res):
                    e = g * lanes + e16
                    acc = jnp.zeros((lanes,), jnp.float32)
                    for j in range(n_seg):
                        h = head_b[e, pl.ds(j * lanes, lanes)]
                        t = tail_b[e, pl.ds(j * lanes, lanes)]
                        ra = rel_b[e, pl.ds(j * lanes, lanes)]
                        rb = rel_b[e, pl.ds(d + j * lanes, lanes)]
                        acc = acc + jnp.abs(h * ra - t * rb)
                    s = GAMMA_CONST - jnp.sum(acc)
                    return jnp.where(lane_ids == e16, s, res)

                res = lax.fori_loop(0, lanes, edge_body,
                                    jnp.zeros((lanes,), jnp.float32))
                out_v[pl.ds(off + g * lanes, lanes)] = res
                return 0

            lax.fori_loop(0, ch // lanes, group_body, 0)

        def drain(off, buf):
            for cp in copies(off, buf):
                cp.wait()

        issue(0, bufs[0])

        def pair_body(i, _):
            off0 = (2 * i) * ch
            issue(off0 + ch, bufs[1])
            drain(off0, bufs[0])
            compute(off0, bufs[0])
            issue(off0 + 2 * ch, bufs[0])
            drain(off0 + ch, bufs[1])
            compute(off0 + ch, bufs[1])
            return 0

        lax.fori_loop(0, (n_chunks - 1) // 2, pair_body, 0)
        last = (n_chunks - 1) * ch
        drain(last, bufs[0])
        compute(last, bufs[0])
        pltpu.sync_copy(out_v, out_hbm.at[pl.ds(base, epw)])

    return scorer


def kernel(x, edge_index, edge_attr):
    n_nodes, d = x.shape
    e_total = edge_attr.shape[0]
    xn = _normalize_rows(x)
    src = edge_index[0].astype(jnp.int32)
    dst = edge_index[1].astype(jnp.int32)
    scorer = _make_sc_scorer(n_nodes, d, e_total)
    score = scorer(xn, src, dst, edge_attr)
    return score.reshape(e_total, 1)

# --- scband reference (transcript-rebuilt; emitter-appended) ---
"""Pipeline reference for scband-pair-re-1872605741816 (READ-ONLY COPY).

The authoritative reference and input builder live on the scoring server;
editing this copy changes nothing except your own understanding.
"""

import jax, jax.numpy as jnp
import numpy as np

GAMMA = 12.0
N_NODES = 10000
D = 128
E = 320000


def setup_inputs(seed: int = 0) -> dict:
    key = jax.random.key(seed)
    k1, k2, k3 = jax.random.split(key, 3)
    x = jax.random.normal(k1, (N_NODES, D), dtype=jnp.float32)
    edge_index = jax.random.randint(k2, (2, E), 0, N_NODES)
    edge_attr = jax.random.normal(k3, (E, 2 * D), dtype=jnp.float32)
    return {"x": x, "edge_index": edge_index, "edge_attr": edge_attr}


def _l2_normalize(v, eps=1e-12):
    # matches torch.nn.functional.normalize(v, p=2, dim=-1)
    n = jnp.linalg.norm(v, ord=2, axis=-1, keepdims=True)
    return v / jnp.maximum(n, eps)


def reference(x, edge_index, edge_attr):
    # PairRE edge_func: per-edge score
    # head = src emb, tail = dst emb, relation = edge emb (dim 2*D)
    head = jnp.take(x, edge_index[0], axis=0)          # [E, D] gather
    tail = jnp.take(x, edge_index[1], axis=0)          # [E, D] gather
    head = head[:, None, :]                            # unsqueeze(1)
    tail = tail[:, None, :]
    relation = edge_attr[:, None, :]
    re_head, re_tail = jnp.split(relation, 2, axis=2)  # th.chunk(relation, 2, dim=2)
    head = _l2_normalize(head)
    tail = _l2_normalize(tail)
    score = head * re_head - tail * re_tail            # [E, 1, D]
    score = GAMMA - jnp.sum(jnp.abs(score), axis=2)    # L1 norm over dim 2 -> [E, 1]
    return score

if __name__ == "__main__":
    import jax
    _d = setup_inputs()
    print(jax.jit(kernel)(*tuple(_d.values())))

</pallas_src>

<mosaic_0001>
#map = affine_map<(d0, d1) -> (0, 0)>
#map1 = affine_map<(d0, d1) -> (0)>
module attributes {stable_mosaic.version = 14 : i64} {
  func.func @scorer(%arg0: i32, %arg1: i32, %arg2: memref<10000x128xf32, #tpu.memory_space<hbm>>, %arg3: memref<320000xi32, #tpu.memory_space<hbm>>, %arg4: memref<320000xi32, #tpu.memory_space<hbm>>, %arg5: memref<320000x256xf32, #tpu.memory_space<hbm>>, %arg6: memref<320000xf32, #tpu.memory_space<hbm>>, %arg7: memref<10000xi32, #tpu.memory_space<vmem>>, %arg8: memref<10000xi32, #tpu.memory_space<vmem>>, %arg9: memref<10000xf32, #tpu.memory_space<vmem>>, %arg10: memref<80x128xf32, #tpu.memory_space<vmem>>, %arg11: memref<80x128xf32, #tpu.memory_space<vmem>>, %arg12: memref<80x256xf32, #tpu.memory_space<vmem>>, %arg13: memref<!tpu.dma_semaphore, #tpu.memory_space<semaphore_mem>>, %arg14: memref<!tpu.dma_semaphore, #tpu.memory_space<semaphore_mem>>, %arg15: memref<!tpu.dma_semaphore, #tpu.memory_space<semaphore_mem>>, %arg16: memref<80x128xf32, #tpu.memory_space<vmem>>, %arg17: memref<80x128xf32, #tpu.memory_space<vmem>>, %arg18: memref<80x256xf32, #tpu.memory_space<vmem>>, %arg19: memref<!tpu.dma_semaphore, #tpu.memory_space<semaphore_mem>>, %arg20: memref<!tpu.dma_semaphore, #tpu.memory_space<semaphore_mem>>, %arg21: memref<!tpu.dma_semaphore, #tpu.memory_space<semaphore_mem>>) attributes {dimension_semantics = [#tpu.dimension_semantics<core_parallel>, #tpu.dimension_semantics<subcore_parallel>], iteration_bounds = array<i64: 2, 16>, scalar_prefetch = 0 : i64, scratch_operands = 15 : i64, tpu.core_type = #tpu.core_type<sc_vector_subcore>, window_params = [{transform_indices = #map}, {transform_indices = #map1}, {transform_indices = #map1}, {transform_indices = #map}, {transform_indices = #map1}]} {
    %mul3A = arith.constant 2 : i32
    %mul3A_0 = arith.muli %arg1, %mul3A : i32
    %add3A = arith.addi %mul3A_0, %arg0 : i32
    %mul3A_1 = arith.constant 10000 : i32
    %mul3A_2 = arith.muli %add3A, %mul3A_1 : i32
    "tpu.region"() ({
      %run_scoped3A = tpu.sem_alloc : memref<!tpu.dma_semaphore, #tpu.memory_space<semaphore_mem>>
      %dma_start3A_46 = tpu.memref_slice %arg3[%mul3A_2] : memref<320000xi32, #tpu.memory_space<hbm>> -> memref<10000xi32, #tpu.memory_space<hbm>>
      %dma_start3A_47 = tpu.memref_slice %arg3[%mul3A_2] : memref<320000xi32, #tpu.memory_space<hbm>> -> memref<10000xi32, #tpu.memory_space<hbm>>
      tpu.enqueue_dma source(%dma_start3A_47 : memref<10000xi32, #tpu.memory_space<hbm>>) target(%arg7 : memref<10000xi32, #tpu.memory_space<vmem>>) target_semaphore(%run_scoped3A : memref<!tpu.dma_semaphore, #tpu.memory_space<semaphore_mem>>)
      %dma_wait3A_48 = tpu.memref_slice %arg3[%mul3A_2] : memref<320000xi32, #tpu.memory_space<hbm>> -> memref<10000xi32, #tpu.memory_space<hbm>>
      %dma_wait3A_49 = tpu.memref_slice %arg3[%mul3A_2] : memref<320000xi32, #tpu.memory_space<hbm>> -> memref<10000xi32, #tpu.memory_space<hbm>>
      tpu.wait_dma2 semaphore(%run_scoped3A : memref<!tpu.dma_semaphore, #tpu.memory_space<semaphore_mem>>) src(%dma_wait3A_49 : memref<10000xi32, #tpu.memory_space<hbm>>) dst(%arg7 : memref<10000xi32, #tpu.memory_space<vmem>>)
      tpu.yield
    }) : () -> ()
    "tpu.region"() ({
      %run_scoped3A = tpu.sem_alloc : memref<!tpu.dma_semaphore, #tpu.memory_space<semaphore_mem>>
      %dma_start3A_46 = tpu.memref_slice %arg4[%mul3A_2] : memref<320000xi32, #tpu.memory_space<hbm>> -> memref<10000xi32, #tpu.memory_space<hbm>>
      %dma_start3A_47 = tpu.memref_slice %arg4[%mul3A_2] : memref<320000xi32, #tpu.memory_space<hbm>> -> memref<10000xi32, #tpu.memory_space<hbm>>
      tpu.enqueue_dma source(%dma_start3A_47 : memref<10000xi32, #tpu.memory_space<hbm>>) target(%arg8 : memref<10000xi32, #tpu.memory_space<vmem>>) target_semaphore(%run_scoped3A : memref<!tpu.dma_semaphore, #tpu.memory_space<semaphore_mem>>)
      %dma_wait3A_48 = tpu.memref_slice %arg4[%mul3A_2] : memref<320000xi32, #tpu.memory_space<hbm>> -> memref<10000xi32, #tpu.memory_space<hbm>>
      %dma_wait3A_49 = tpu.memref_slice %arg4[%mul3A_2] : memref<320000xi32, #tpu.memory_space<hbm>> -> memref<10000xi32, #tpu.memory_space<hbm>>
      tpu.wait_dma2 semaphore(%run_scoped3A : memref<!tpu.dma_semaphore, #tpu.memory_space<semaphore_mem>>) src(%dma_wait3A_49 : memref<10000xi32, #tpu.memory_space<hbm>>) dst(%arg8 : memref<10000xi32, #tpu.memory_space<vmem>>)
      tpu.yield
    }) : () -> ()
    %add3A_3 = arith.constant 0 : i32
    %add3A_4 = arith.addi %mul3A_2, %add3A_3 : i32
    %dma_start3A = arith.constant 0 : i32
    %dma_start3A_5 = tpu.memref_slice %arg5[%add3A_4, %dma_start3A] : memref<320000x256xf32, #tpu.memory_space<hbm>> -> memref<80x256xf32, #tpu.memory_space<hbm>>
    %dma_start3A_6 = arith.constant 0 : i32
    %dma_start3A_7 = tpu.memref_slice %arg5[%add3A_4, %dma_start3A_6] : memref<320000x256xf32, #tpu.memory_space<hbm>> -> memref<80x256xf32, #tpu.memory_space<hbm>>
    tpu.enqueue_dma source(%dma_start3A_7 : memref<80x256xf32, #tpu.memory_space<hbm>>) target(%arg12 : memref<80x256xf32, #tpu.memory_space<vmem>>) target_semaphore(%arg15 : memref<!tpu.dma_semaphore, #tpu.memory_space<semaphore_mem>>)
    %dma_start3A_8 = arith.constant 0 : i32
    %dma_start3A_9 = tpu.memref_slice %arg7[%dma_start3A_8] : memref<10000xi32, #tpu.memory_space<vmem>> -> memref<80xi32, #tpu.memory_space<vmem>>
    %dma_start3A_10 = arith.constant 0 : i32
    %dma_start3A_11 = arith.constant 0 : i32
    %dma_start3A_12 = tpu.memref_slice %arg2[%dma_start3A_10, %dma_start3A_11] : memref<10000x128xf32, #tpu.memory_space<hbm>> -> memref<10000x128xf32, #tpu.memory_space<hbm>>
    tpu.enqueue_indirect_dma source(%dma_start3A_12 : memref<10000x128xf32, #tpu.memory_space<hbm>>) target(%arg10 : memref<80x128xf32, #tpu.memory_space<vmem>>) offsets(%dma_start3A_9 : memref<80xi32, #tpu.memory_space<vmem>>) semaphore(%arg13 : memref<!tpu.dma_semaphore, #tpu.memory_space<semaphore_mem>>)
    %dma_start3A_13 = arith.constant 0 : i32
    %dma_start3A_14 = tpu.memref_slice %arg8[%dma_start3A_13] : memref<10000xi32, #tpu.memory_space<vmem>> -> memref<80xi32, #tpu.memory_space<vmem>>
    %dma_start3A_15 = arith.constant 0 : i32
    %dma_start3A_16 = arith.constant 0 : i32
    %dma_start3A_17 = tpu.memref_slice %arg2[%dma_start3A_15, %dma_start3A_16] : memref<10000x128xf32, #tpu.memory_space<hbm>> -> memref<10000x128xf32, #tpu.memory_space<hbm>>
    tpu.enqueue_indirect_dma source(%dma_start3A_17 : memref<10000x128xf32, #tpu.memory_space<hbm>>) target(%arg11 : memref<80x128xf32, #tpu.memory_space<vmem>>) offsets(%dma_start3A_14 : memref<80xi32, #tpu.memory_space<vmem>>) semaphore(%arg14 : memref<!tpu.dma_semaphore, #tpu.memory_space<semaphore_mem>>)
    %scan3A = arith.constant 0 : i32
    %scan3A_18 = arith.constant 0 : i32
    %scan3A_19 = arith.constant 62 : i32
    %scan3A_20 = arith.addi %scan3A_18, %scan3A_19 : i32
    %scan3A_21 = arith.constant 1 : i32
    %scan3A_22 = scf.for %scan3A_46 = %scan3A_18 to %scan3A_20 step %scan3A_21 iter_args(%scan3A_47 = %scan3A) -> (i32)  : i32 {
      %mul3A_48 = arith.constant 2 : i32
      %mul3A_49 = arith.muli %mul3A_48, %scan3A_46 : i32
      %mul3A_50 = arith.constant 80 : i32
      %mul3A_51 = arith.muli %mul3A_49, %mul3A_50 : i32
      %add3A_52 = arith.constant 80 : i32
      %add3A_53 = arith.addi %mul3A_51, %add3A_52 : i32
      %add3A_54 = arith.addi %mul3A_2, %add3A_53 : i32
      %dma_start3A_55 = arith.constant 0 : i32
      %dma_start3A_56 = tpu.memref_slice %arg5[%add3A_54, %dma_start3A_55] : memref<320000x256xf32, #tpu.memory_space<hbm>> -> memref<80x256xf32, #tpu.memory_space<hbm>>
      %dma_start3A_57 = arith.constant 0 : i32
      %dma_start3A_58 = tpu.memref_slice %arg5[%add3A_54, %dma_start3A_57] : memref<320000x256xf32, #tpu.memory_space<hbm>> -> memref<80x256xf32, #tpu.memory_space<hbm>>
      tpu.enqueue_dma source(%dma_start3A_58 : memref<80x256xf32, #tpu.memory_space<hbm>>) target(%arg18 : memref<80x256xf32, #tpu.memory_space<vmem>>) target_semaphore(%arg21 : memref<!tpu.dma_semaphore, #tpu.memory_space<semaphore_mem>>)
      %dma_start3A_59 = tpu.memref_slice %arg7[%add3A_53] : memref<10000xi32, #tpu.memory_space<vmem>> -> memref<80xi32, #tpu.memory_space<vmem>>
      %dma_start3A_60 = arith.constant 0 : i32
      %dma_start3A_61 = arith.constant 0 : i32
      %dma_start3A_62 = tpu.memref_slice %arg2[%dma_start3A_60, %dma_start3A_61] : memref<10000x128xf32, #tpu.memory_space<hbm>> -> memref<10000x128xf32, #tpu.memory_space<hbm>>
      tpu.enqueue_indirect_dma source(%dma_start3A_62 : memref<10000x128xf32, #tpu.memory_space<hbm>>) target(%arg16 : memref<80x128xf32, #tpu.memory_space<vmem>>) offsets(%dma_start3A_59 : memref<80xi32, #tpu.memory_space<vmem>>) semaphore(%arg19 : memref<!tpu.dma_semaphore, #tpu.memory_space<semaphore_mem>>)
      %dma_start3A_63 = tpu.memref_slice %arg8[%add3A_53] : memref<10000xi32, #tpu.memory_space<vmem>> -> memref<80xi32, #tpu.memory_space<vmem>>
      %dma_start3A_64 = arith.constant 0 : i32
      %dma_start3A_65 = arith.constant 0 : i32
      %dma_start3A_66 = tpu.memref_slice %arg2[%dma_start3A_64, %dma_start3A_65] : memref<10000x128xf32, #tpu.memory_space<hbm>> -> memref<10000x128xf32, #tpu.memory_space<hbm>>
      tpu.enqueue_indirect_dma source(%dma_start3A_66 : memref<10000x128xf32, #tpu.memory_space<hbm>>) target(%arg17 : memref<80x128xf32, #tpu.memory_space<vmem>>) offsets(%dma_start3A_63 : memref<80xi32, #tpu.memory_space<vmem>>) semaphore(%arg20 : memref<!tpu.dma_semaphore, #tpu.memory_space<semaphore_mem>>)
      %add3A_67 = arith.addi %mul3A_2, %mul3A_51 : i32
      %dma_wait3A_68 = arith.constant 0 : i32
      %dma_wait3A_69 = tpu.memref_slice %arg5[%add3A_67, %dma_wait3A_68] : memref<320000x256xf32, #tpu.memory_space<hbm>> -> memref<80x256xf32, #tpu.memory_space<hbm>>
      %dma_wait3A_70 = arith.constant 0 : i32
      %dma_wait3A_71 = tpu.memref_slice %arg5[%add3A_67, %dma_wait3A_70] : memref<320000x256xf32, #tpu.memory_space<hbm>> -> memref<80x256xf32, #tpu.memory_space<hbm>>
      tpu.wait_dma2 semaphore(%arg15 : memref<!tpu.dma_semaphore, #tpu.memory_space<semaphore_mem>>) src(%dma_wait3A_71 : memref<80x256xf32, #tpu.memory_space<hbm>>) dst(%arg12 : memref<80x256xf32, #tpu.memory_space<vmem>>)
      %dma_wait3A_72 = tpu.memref_slice %arg7[%mul3A_51] : memref<10000xi32, #tpu.memory_space<vmem>> -> memref<80xi32, #tpu.memory_space<vmem>>
      %dma_wait3A_73 = arith.constant 0 : i32
      %dma_wait3A_74 = arith.constant 0 : i32
      %dma_wait3A_75 = tpu.memref_slice %arg2[%dma_wait3A_73, %dma_wait3A_74] : memref<10000x128xf32, #tpu.memory_space<hbm>> -> memref<10000x128xf32, #tpu.memory_space<hbm>>
      tpu.wait_indirect_dma semaphore(%arg13 : memref<!tpu.dma_semaphore, #tpu.memory_space<semaphore_mem>>) src(%dma_wait3A_75 : memref<10000x128xf32, #tpu.memory_space<hbm>>) dst(%arg10 : memref<80x128xf32, #tpu.memory_space<vmem>>)
      %dma_wait3A_76 = tpu.memref_slice %arg8[%mul3A_51] : memref<10000xi32, #tpu.memory_space<vmem>> -> memref<80xi32, #tpu.memory_space<vmem>>
      %dma_wait3A_77 = arith.constant 0 : i32
      %dma_wait3A_78 = arith.constant 0 : i32
      %dma_wait3A_79 = tpu.memref_slice %arg2[%dma_wait3A_77, %dma_wait3A_78] : memref<10000x128xf32, #tpu.memory_space<hbm>> -> memref<10000x128xf32, #tpu.memory_space<hbm>>
      tpu.wait_indirect_dma semaphore(%arg14 : memref<!tpu.dma_semaphore, #tpu.memory_space<semaphore_mem>>) src(%dma_wait3A_79 : memref<10000x128xf32, #tpu.memory_space<hbm>>) dst(%arg11 : memref<80x128xf32, #tpu.memory_space<vmem>>)
      %iota3A_80 = tpu.iota {dimensions = array<i32: 0>} : vector<16xi32>
      %scan3A_81 = arith.constant 0 : i32
      %scan3A_82 = arith.constant 0 : i32
      %scan3A_83 = arith.constant 5 : i32
      %scan3A_84 = arith.addi %scan3A_82, %scan3A_83 : i32
      %scan3A_85 = arith.constant 1 : i32
      %scan3A_86 = scf.for %scan3A_129 = %scan3A_82 to %scan3A_84 step %scan3A_85 iter_args(%scan3A_130 = %scan3A_81) -> (i32)  : i32 {
        %broadcast_in_dim3A = arith.constant 0.000000e+00 : f32
        %broadcast_in_dim3A_131 = vector.broadcast %broadcast_in_dim3A : f32 to vector<16xf32>
        %scan3A_132 = arith.constant 0 : i32
        %scan3A_133 = arith.constant 16 : i32
        %scan3A_134 = arith.addi %scan3A_132, %scan3A_133 : i32
        %scan3A_135 = arith.constant 1 : i32
        %scan3A_136 = scf.for %scan3A_143 = %scan3A_132 to %scan3A_134 step %scan3A_135 iter_args(%scan3A_144 = %broadcast_in_dim3A_131) -> (vector<16xf32>)  : i32 {
          %mul3A_145 = arith.constant 16 : i32
          %mul3A_146 = arith.muli %scan3A_129, %mul3A_145 : i32
          %add3A_147 = arith.addi %mul3A_146, %scan3A_143 : i32
          %broadcast_in_dim3A_148 = arith.constant 0.000000e+00 : f32
          %broadcast_in_dim3A_149 = vector.broadcast %broadcast_in_dim3A_148 : f32 to vector<16xf32>
          %get3A = arith.index_cast %add3A_147 : i32 to index
          %get3A_150 = arith.constant 0 : index
          %get3A_151 = tpu.vector_load %arg10[%get3A, %get3A_150] {strides = array<i32>} : memref<80x128xf32, #tpu.memory_space<vmem>>, vector<16xf32>,
          %get3A_152 = arith.index_cast %add3A_147 : i32 to index
          %get3A_153 = arith.constant 0 : index
          %get3A_154 = tpu.vector_load %arg11[%get3A_152, %get3A_153] {strides = array<i32>} : memref<80x128xf32, #tpu.memory_space<vmem>>, vector<16xf32>,
          %get3A_155 = arith.index_cast %add3A_147 : i32 to index
          %get3A_156 = arith.constant 0 : index
          %get3A_157 = tpu.vector_load %arg12[%get3A_155, %get3A_156] {strides = array<i32>} : memref<80x256xf32, #tpu.memory_space<vmem>>, vector<16xf32>,
          %get3A_158 = arith.index_cast %add3A_147 : i32 to index
          %get3A_159 = arith.constant 128 : index
          %get3A_160 = tpu.vector_load %arg12[%get3A_158, %get3A_159] {strides = array<i32>} : memref<80x256xf32, #tpu.memory_space<vmem>>, vector<16xf32>,
          %mul3A_161 = arith.mulf %get3A_151, %get3A_157 : vector<16xf32>
          %mul3A_162 = arith.mulf %get3A_154, %get3A_160 : vector<16xf32>
          %sub3A = arith.subf %mul3A_161, %mul3A_162 : vector<16xf32>
          %abs3A = math.absf %sub3A : vector<16xf32>
          %add3A_163 = arith.addf %broadcast_in_dim3A_149, %abs3A : vector<16xf32>
          %get3A_164 = arith.index_cast %add3A_147 : i32 to index
          %get3A_165 = arith.constant 16 : index
          %get3A_166 = tpu.vector_load %arg10[%get3A_164, %get3A_165] {strides = array<i32>} : memref<80x128xf32, #tpu.memory_space<vmem>>, vector<16xf32>,
          %get3A_167 = arith.index_cast %add3A_147 : i32 to index
          %get3A_168 = arith.constant 16 : index
          %get3A_169 = tpu.vector_load %arg11[%get3A_167, %get3A_168] {strides = array<i32>} : memref<80x128xf32, #tpu.memory_space<vmem>>, vector<16xf32>,
          %get3A_170 = arith.index_cast %add3A_147 : i32 to index
          %get3A_171 = arith.constant 16 : index
          %get3A_172 = tpu.vector_load %arg12[%get3A_170, %get3A_171] {strides = array<i32>} : memref<80x256xf32, #tpu.memory_space<vmem>>, vector<16xf32>,
          %get3A_173 = arith.index_cast %add3A_147 : i32 to index
          %get3A_174 = arith.constant 144 : index
          %get3A_175 = tpu.vector_load %arg12[%get3A_173, %get3A_174] {strides = array<i32>} : memref<80x256xf32, #tpu.memory_space<vmem>>, vector<16xf32>,
          %mul3A_176 = arith.mulf %get3A_166, %get3A_172 : vector<16xf32>
          %mul3A_177 = arith.mulf %get3A_169, %get3A_175 : vector<16xf32>
          %sub3A_178 = arith.subf %mul3A_176, %mul3A_177 : vector<16xf32>
          %abs3A_179 = math.absf %sub3A_178 : vector<16xf32>
          %add3A_180 = arith.addf %add3A_163, %abs3A_179 : vector<16xf32>
          %get3A_181 = arith.index_cast %add3A_147 : i32 to index
          %get3A_182 = arith.constant 32 : index
          %get3A_183 = tpu.vector_load %arg10[%get3A_181, %get3A_182] {strides = array<i32>} : memref<80x128xf32, #tpu.memory_space<vmem>>, vector<16xf32>,
          %get3A_184 = arith.index_cast %add3A_147 : i32 to index
          %get3A_185 = arith.constant 32 : index
          %get3A_186 = tpu.vector_load %arg11[%get3A_184, %get3A_185] {strides = array<i32>} : memref<80x128xf32, #tpu.memory_space<vmem>>, vector<16xf32>,
          %get3A_187 = arith.index_cast %add3A_147 : i32 to index
          %get3A_188 = arith.constant 32 : index
          %get3A_189 = tpu.vector_load %arg12[%get3A_187, %get3A_188] {strides = array<i32>} : memref<80x256xf32, #tpu.memory_space<vmem>>, vector<16xf32>,
          %get3A_190 = arith.index_cast %add3A_147 : i32 to index
          %get3A_191 = arith.constant 160 : index
          %get3A_192 = tpu.vector_load %arg12[%get3A_190, %get3A_191] {strides = array<i32>} : memref<80x256xf32, #tpu.memory_space<vmem>>, vector<16xf32>,
          %mul3A_193 = arith.mulf %get3A_183, %get3A_189 : vector<16xf32>
          %mul3A_194 = arith.mulf %get3A_186, %get3A_192 : vector<16xf32>
          %sub3A_195 = arith.subf %mul3A_193, %mul3A_194 : vector<16xf32>
          %abs3A_196 = math.absf %sub3A_195 : vector<16xf32>
          %add3A_197 = arith.addf %add3A_180, %abs3A_196 : vector<16xf32>
          %get3A_198 = arith.index_cast %add3A_147 : i32 to index
          %get3A_199 = arith.constant 48 : index
          %get3A_200 = tpu.vector_load %arg10[%get3A_198, %get3A_199] {strides = array<i32>} : memref<80x128xf32, #tpu.memory_space<vmem>>, vector<16xf32>,
          %get3A_201 = arith.index_cast %add3A_147 : i32 to index
          %get3A_202 = arith.constant 48 : index
          %get3A_203 = tpu.vector_load %arg11[%get3A_201, %get3A_202] {strides = array<i32>} : memref<80x128xf32, #tpu.memory_space<vmem>>, vector<16xf32>,
          %get3A_204 = arith.index_cast %add3A_147 : i32 to index
          %get3A_205 = arith.constant 48 : index
          %get3A_206 = tpu.vector_load %arg12[%get3A_204, %get3A_205] {strides = array<i32>} : memref<80x256xf32, #tpu.memory_space<vmem>>, vector<16xf32>,
          %get3A_207 = arith.index_cast %add3A_147 : i32 to index
          %get3A_208 = arith.constant 176 : index
          %get3A_209 = tpu.vector_load %arg12[%get3A_207, %get3A_208] {strides = array<i32>} : memref<80x256xf32, #tpu.memory_space<vmem>>, vector<16xf32>,
          %mul3A_210 = arith.mulf %get3A_200, %get3A_206 : vector<16xf32>
          %mul3A_211 = arith.mulf %get3A_203, %get3A_209 : vector<16xf32>
          %sub3A_212 = arith.subf %mul3A_210, %mul3A_211 : vector<16xf32>
          %abs3A_213 = math.absf %sub3A_212 : vector<16xf32>
          %add3A_214 = arith.addf %add3A_197, %abs3A_213 : vector<16xf32>
          %get3A_215 = arith.index_cast %add3A_147 : i32 to index
          %get3A_216 = arith.constant 64 : index
          %get3A_217 = tpu.vector_load %arg10[%get3A_215, %get3A_216] {strides = array<i32>} : memref<80x128xf32, #tpu.memory_space<vmem>>, vector<16xf32>,
          %get3A_218 = arith.index_cast %add3A_147 : i32 to index
          %get3A_219 = arith.constant 64 : index
          %get3A_220 = tpu.vector_load %arg11[%get3A_218, %get3A_219] {strides = array<i32>} : memref<80x128xf32, #tpu.memory_space<vmem>>, vector<16xf32>,
          %get3A_221 = arith.index_cast %add3A_147 : i32 to index
          %get3A_222 = arith.constant 64 : index
          %get3A_223 = tpu.vector_load %arg12[%get3A_221, %get3A_222] {strides = array<i32>} : memref<80x256xf32, #tpu.memory_space<vmem>>, vector<16xf32>,
          %get3A_224 = arith.index_cast %add3A_147 : i32 to index
          %get3A_225 = arith.constant 192 : index
          %get3A_226 = tpu.vector_load %arg12[%get3A_224, %get3A_225] {strides = array<i32>} : memref<80x256xf32, #tpu.memory_space<vmem>>, vector<16xf32>,
          %mul3A_227 = arith.mulf %get3A_217, %get3A_223 : vector<16xf32>
          %mul3A_228 = arith.mulf %get3A_220, %get3A_226 : vector<16xf32>
          %sub3A_229 = arith.subf %mul3A_227, %mul3A_228 : vector<16xf32>
          %abs3A_230 = math.absf %sub3A_229 : vector<16xf32>
          %add3A_231 = arith.addf %add3A_214, %abs3A_230 : vector<16xf32>
          %get3A_232 = arith.index_cast %add3A_147 : i32 to index
          %get3A_233 = arith.constant 80 : index
          %get3A_234 = tpu.vector_load %arg10[%get3A_232, %get3A_233] {strides = array<i32>} : memref<80x128xf32, #tpu.memory_space<vmem>>, vector<16xf32>,
          %get3A_235 = arith.index_cast %add3A_147 : i32 to index
          %get3A_236 = arith.constant 80 : index
          %get3A_237 = tpu.vector_load %arg11[%get3A_235, %get3A_236] {strides = array<i32>} : memref<80x128xf32, #tpu.memory_space<vmem>>, vector<16xf32>,
          %get3A_238 = arith.index_cast %add3A_147 : i32 to index
          %get3A_239 = arith.constant 80 : index
          %get3A_240 = tpu.vector_load %arg12[%get3A_238, %get3A_239] {strides = array<i32>} : memref<80x256xf32, #tpu.memory_space<vmem>>, vector<16xf32>,
          %get3A_241 = arith.index_cast %add3A_147 : i32 to index
          %get3A_242 = arith.constant 208 : index
          %get3A_243 = tpu.vector_load %arg12[%get3A_241, %get3A_242] {strides = array<i32>} : memref<80x256xf32, #tpu.memory_space<vmem>>, vector<16xf32>,
          %mul3A_244 = arith.mulf %get3A_234, %get3A_240 : vector<16xf32>
          %mul3A_245 = arith.mulf %get3A_237, %get3A_243 : vector<16xf32>
          %sub3A_246 = arith.subf %mul3A_244, %mul3A_245 : vector<16xf32>
          %abs3A_247 = math.absf %sub3A_246 : vector<16xf32>
          %add3A_248 = arith.addf %add3A_231, %abs3A_247 : vector<16xf32>
          %get3A_249 = arith.index_cast %add3A_147 : i32 to index
          %get3A_250 = arith.constant 96 : index
          %get3A_251 = tpu.vector_load %arg10[%get3A_249, %get3A_250] {strides = array<i32>} : memref<80x128xf32, #tpu.memory_space<vmem>>, vector<16xf32>,
          %get3A_252 = arith.index_cast %add3A_147 : i32 to index
          %get3A_253 = arith.constant 96 : index
          %get3A_254 = tpu.vector_load %arg11[%get3A_252, %get3A_253] {strides = array<i32>} : memref<80x128xf32, #tpu.memory_space<vmem>>, vector<16xf32>,
          %get3A_255 = arith.index_cast %add3A_147 : i32 to index
          %get3A_256 = arith.constant 96 : index
          %get3A_257 = tpu.vector_load %arg12[%get3A_255, %get3A_256] {strides = array<i32>} : memref<80x256xf32, #tpu.memory_space<vmem>>, vector<16xf32>,
          %get3A_258 = arith.index_cast %add3A_147 : i32 to index
          %get3A_259 = arith.constant 224 : index
          %get3A_260 = tpu.vector_load %arg12[%get3A_258, %get3A_259] {strides = array<i32>} : memref<80x256xf32, #tpu.memory_space<vmem>>, vector<16xf32>,
          %mul3A_261 = arith.mulf %get3A_251, %get3A_257 : vector<16xf32>
          %mul3A_262 = arith.mulf %get3A_254, %get3A_260 : vector<16xf32>
          %sub3A_263 = arith.subf %mul3A_261, %mul3A_262 : vector<16xf32>
          %abs3A_264 = math.absf %sub3A_263 : vector<16xf32>
          %add3A_265 = arith.addf %add3A_248, %abs3A_264 : vector<16xf32>
          %get3A_266 = arith.index_cast %add3A_147 : i32 to index
          %get3A_267 = arith.constant 112 : index
          %get3A_268 = tpu.vector_load %arg10[%get3A_266, %get3A_267] {strides = array<i32>} : memref<80x128xf32, #tpu.memory_space<vmem>>, vector<16xf32>,
          %get3A_269 = arith.index_cast %add3A_147 : i32 to index
          %get3A_270 = arith.constant 112 : index
          %get3A_271 = tpu.vector_load %arg11[%get3A_269, %get3A_270] {strides = array<i32>} : memref<80x128xf32, #tpu.memory_space<vmem>>, vector<16xf32>,
          %get3A_272 = arith.index_cast %add3A_147 : i32 to index
          %get3A_273 = arith.constant 112 : index
          %get3A_274 = tpu.vector_load %arg12[%get3A_272, %get3A_273] {strides = array<i32>} : memref<80x256xf32, #tpu.memory_space<vmem>>, vector<16xf32>,
          %get3A_275 = arith.index_cast %add3A_147 : i32 to index
          %get3A_276 = arith.constant 240 : index
          %get3A_277 = tpu.vector_load %arg12[%get3A_275, %get3A_276] {strides = array<i32>} : memref<80x256xf32, #tpu.memory_space<vmem>>, vector<16xf32>,
          %mul3A_278 = arith.mulf %get3A_268, %get3A_274 : vector<16xf32>
          %mul3A_279 = arith.mulf %get3A_271, %get3A_277 : vector<16xf32>
          %sub3A_280 = arith.subf %mul3A_278, %mul3A_279 : vector<16xf32>
          %abs3A_281 = math.absf %sub3A_280 : vector<16xf32>
          %add3A_282 = arith.addf %add3A_265, %abs3A_281 : vector<16xf32>
          %reduce_sum3A = arith.constant true
          %reduce_sum3A_283 = vector.broadcast %reduce_sum3A : i1 to vector<16xi1>
          %reduce_sum3A_284 = tpu.scan <sum>, %add3A_282 masked %reduce_sum3A_283 : vector<16xf32>, vector<16xi1> -> vector<16xf32>
          %reduce_sum3A_285 = vector.extract %reduce_sum3A_284[15] : f32 from vector<16xf32>
          %sub3A_286 = arith.constant 1.200000e+01 : f32
          %sub3A_287 = arith.subf %sub3A_286, %reduce_sum3A_285 : f32
          %eq3A = vector.broadcast %scan3A_143 : i32 to vector<16xi32>
          %eq3A_288 = arith.cmpi eq, %iota3A_80, %eq3A : vector<16xi32>
          %broadcast_in_dim3A_289 = vector.broadcast %sub3A_287 : f32 to vector<16xf32>
          %select_n3A = arith.select %eq3A_288, %broadcast_in_dim3A_289, %scan3A_144 : vector<16xi1>, vector<16xf32>
          scf.yield %select_n3A : vector<16xf32>
        }
        %scan3A_137 = arith.constant 16 : i32
        %mul3A_138 = arith.constant 16 : i32
        %mul3A_139 = arith.muli %scan3A_129, %mul3A_138 : i32
        %add3A_140 = arith.addi %mul3A_51, %mul3A_139 : i32
        %swap3A = arith.index_cast %add3A_140 : i32 to index
        %swap3A_141 = tpu.vector_load %arg9[%swap3A] {strides = array<i32>} : memref<10000xf32, #tpu.memory_space<vmem>>, vector<16xf32>,
        tpu.vector_store %arg9[%swap3A], %scan3A_136 {strides = array<i32>} : memref<10000xf32, #tpu.memory_space<vmem>>, vector<16xf32>,
        %scan3A_142 = arith.constant 0 : i32
        scf.yield %scan3A_142 : i32
      }
      %scan3A_87 = arith.constant 5 : i32
      %add3A_88 = arith.constant 160 : i32
      %add3A_89 = arith.addi %mul3A_51, %add3A_88 : i32
      %add3A_90 = arith.addi %mul3A_2, %add3A_89 : i32
      %dma_start3A_91 = arith.constant 0 : i32
      %dma_start3A_92 = tpu.memref_slice %arg5[%add3A_90, %dma_start3A_91] : memref<320000x256xf32, #tpu.memory_space<hbm>> -> memref<80x256xf32, #tpu.memory_space<hbm>>
      %dma_start3A_93 = arith.constant 0 : i32
      %dma_start3A_94 = tpu.memref_slice %arg5[%add3A_90, %dma_start3A_93] : memref<320000x256xf32, #tpu.memory_space<hbm>> -> memref<80x256xf32, #tpu.memory_space<hbm>>
      tpu.enqueue_dma source(%dma_start3A_94 : memref<80x256xf32, #tpu.memory_space<hbm>>) target(%arg12 : memref<80x256xf32, #tpu.memory_space<vmem>>) target_semaphore(%arg15 : memref<!tpu.dma_semaphore, #tpu.memory_space<semaphore_mem>>)
      %dma_start3A_95 = tpu.memref_slice %arg7[%add3A_89] : memref<10000xi32, #tpu.memory_space<vmem>> -> memref<80xi32, #tpu.memory_space<vmem>>
      %dma_start3A_96 = arith.constant 0 : i32
      %dma_start3A_97 = arith.constant 0 : i32
      %dma_start3A_98 = tpu.memref_slice %arg2[%dma_start3A_96, %dma_start3A_97] : memref<10000x128xf32, #tpu.memory_space<hbm>> -> memref<10000x128xf32, #tpu.memory_space<hbm>>
      tpu.enqueue_indirect_dma source(%dma_start3A_98 : memref<10000x128xf32, #tpu.memory_space<hbm>>) target(%arg10 : memref<80x128xf32, #tpu.memory_space<vmem>>) offsets(%dma_start3A_95 : memref<80xi32, #tpu.memory_space<vmem>>) semaphore(%arg13 : memref<!tpu.dma_semaphore, #tpu.memory_space<semaphore_mem>>)
      %dma_start3A_99 = tpu.memref_slice %arg8[%add3A_89] : memref<10000xi32, #tpu.memory_space<vmem>> -> memref<80xi32, #tpu.memory_space<vmem>>
      %dma_start3A_100 = arith.constant 0 : i32
      %dma_start3A_101 = arith.constant 0 : i32
      %dma_start3A_102 = tpu.memref_slice %arg2[%dma_start3A_100, %dma_start3A_101] : memref<10000x128xf32, #tpu.memory_space<hbm>> -> memref<10000x128xf32, #tpu.memory_space<hbm>>
      tpu.enqueue_indirect_dma source(%dma_start3A_102 : memref<10000x128xf32, #tpu.memory_space<hbm>>) target(%arg11 : memref<80x128xf32, #tpu.memory_space<vmem>>) offsets(%dma_start3A_99 : memref<80xi32, #tpu.memory_space<vmem>>) semaphore(%arg14 : memref<!tpu.dma_semaphore, #tpu.memory_space<semaphore_mem>>)
      %add3A_103 = arith.constant 80 : i32
      %add3A_104 = arith.addi %mul3A_51, %add3A_103 : i32
      %add3A_105 = arith.addi %mul3A_2, %add3A_104 : i32
      %dma_wait3A_106 = arith.constant 0 : i32
      %dma_wait3A_107 = tpu.memref_slice %arg5[%add3A_105, %dma_wait3A_106] : memref<320000x256xf32, #tpu.memory_space<hbm>> -> memref<80x256xf32, #tpu.memory_space<hbm>>
      %dma_wait3A_108 = arith.constant 0 : i32
      %dma_wait3A_109 = tpu.memref_slice %arg5[%add3A_105, %dma_wait3A_108] : memref<320000x256xf32, #tpu.memory_space<hbm>> -> memref<80x256xf32, #tpu.memory_space<hbm>>
      tpu.wait_dma2 semaphore(%arg21 : memref<!tpu.dma_semaphore, #tpu.memory_space<semaphore_mem>>) src(%dma_wait3A_109 : memref<80x256xf32, #tpu.memory_space<hbm>>) dst(%arg18 : memref<80x256xf32, #tpu.memory_space<vmem>>)
      %dma_wait3A_110 = tpu.memref_slice %arg7[%add3A_104] : memref<10000xi32, #tpu.memory_space<vmem>> -> memref<80xi32, #tpu.memory_space<vmem>>
      %dma_wait3A_111 = arith.constant 0 : i32
      %dma_wait3A_112 = arith.constant 0 : i32
      %dma_wait3A_113 = tpu.memref_slice %arg2[%dma_wait3A_111, %dma_wait3A_112] : memref<10000x128xf32, #tpu.memory_space<hbm>> -> memref<10000x128xf32, #tpu.memory_space<hbm>>
      tpu.wait_indirect_dma semaphore(%arg19 : memref<!tpu.dma_semaphore, #tpu.memory_space<semaphore_mem>>) src(%dma_wait3A_113 : memref<10000x128xf32, #tpu.memory_space<hbm>>) dst(%arg16 : memref<80x128xf32, #tpu.memory_space<vmem>>)
      %dma_wait3A_114 = tpu.memref_slice %arg8[%add3A_104] : memref<10000xi32, #tpu.memory_space<vmem>> -> memref<80xi32, #tpu.memory_space<vmem>>
      %dma_wait3A_115 = arith.constant 0 : i32
      %dma_wait3A_116 = arith.constant 0 : i32
      %dma_wait3A_117 = tpu.memref_slice %arg2[%dma_wait3A_115, %dma_wait3A_116] : memref<10000x128xf32, #tpu.memory_space<hbm>> -> memref<10000x128xf32, #tpu.memory_space<hbm>>
      tpu.wait_indirect_dma semaphore(%arg20 : memref<!tpu.dma_semaphore, #tpu.memory_space<semaphore_mem>>) src(%dma_wait3A_117 : memref<10000x128xf32, #tpu.memory_space<hbm>>) dst(%arg17 : memref<80x128xf32, #tpu.memory_space<vmem>>)
      %add3A_118 = arith.constant 80 : i32
      %add3A_119 = arith.addi %mul3A_51, %add3A_118 : i32
      %iota3A_120 = tpu.iota {dimensions = array<i32: 0>} : vector<16xi32>
      %scan3A_121 = arith.constant 0 : i32
      %scan3A_122 = arith.constant 0 : i32
      %scan3A_123 = arith.constant 5 : i32
      %scan3A_124 = arith.addi %scan3A_122, %scan3A_123 : i32
      %scan3A_125 = arith.constant 1 : i32
      %scan3A_126 = scf.for %scan3A_129 = %scan3A_122 to %scan3A_124 step %scan3A_125 iter_args(%scan3A_130 = %scan3A_121) -> (i32)  : i32 {
        %broadcast_in_dim3A = arith.constant 0.000000e+00 : f32
        %broadcast_in_dim3A_131 = vector.broadcast %broadcast_in_dim3A : f32 to vector<16xf32>
        %scan3A_132 = arith.constant 0 : i32
        %scan3A_133 = arith.constant 16 : i32
        %scan3A_134 = arith.addi %scan3A_132, %scan3A_133 : i32
        %scan3A_135 = arith.constant 1 : i32
        %scan3A_136 = scf.for %scan3A_143 = %scan3A_132 to %scan3A_134 step %scan3A_135 iter_args(%scan3A_144 = %broadcast_in_dim3A_131) -> (vector<16xf32>)  : i32 {
          %mul3A_145 = arith.constant 16 : i32
          %mul3A_146 = arith.muli %scan3A_129, %mul3A_145 : i32
          %add3A_147 = arith.addi %mul3A_146, %scan3A_143 : i32
          %broadcast_in_dim3A_148 = arith.constant 0.000000e+00 : f32
          %broadcast_in_dim3A_149 = vector.broadcast %broadcast_in_dim3A_148 : f32 to vector<16xf32>
          %get3A = arith.index_cast %add3A_147 : i32 to index
          %get3A_150 = arith.constant 0 : index
          %get3A_151 = tpu.vector_load %arg16[%get3A, %get3A_150] {strides = array<i32>} : memref<80x128xf32, #tpu.memory_space<vmem>>, vector<16xf32>,
          %get3A_152 = arith.index_cast %add3A_147 : i32 to index
          %get3A_153 = arith.constant 0 : index
          %get3A_154 = tpu.vector_load %arg17[%get3A_152, %get3A_153] {strides = array<i32>} : memref<80x128xf32, #tpu.memory_space<vmem>>, vector<16xf32>,
          %get3A_155 = arith.index_cast %add3A_147 : i32 to index
          %get3A_156 = arith.constant 0 : index
          %get3A_157 = tpu.vector_load %arg18[%get3A_155, %get3A_156] {strides = array<i32>} : memref<80x256xf32, #tpu.memory_space<vmem>>, vector<16xf32>,
          %get3A_158 = arith.index_cast %add3A_147 : i32 to index
          %get3A_159 = arith.constant 128 : index
          %get3A_160 = tpu.vector_load %arg18[%get3A_158, %get3A_159] {strides = array<i32>} : memref<80x256xf32, #tpu.memory_space<vmem>>, vector<16xf32>,
          %mul3A_161 = arith.mulf %get3A_151, %get3A_157 : vector<16xf32>
          %mul3A_162 = arith.mulf %get3A_154, %get3A_160 : vector<16xf32>
          %sub3A = arith.subf %mul3A_161, %mul3A_162 : vector<16xf32>
          %abs3A = math.absf %sub3A : vector<16xf32>
          %add3A_163 = arith.addf %broadcast_in_dim3A_149, %abs3A : vector<16xf32>
          %get3A_164 = arith.index_cast %add3A_147 : i32 to index
          %get3A_165 = arith.constant 16 : index
          %get3A_166 = tpu.vector_load %arg16[%get3A_164, %get3A_165] {strides = array<i32>} : memref<80x128xf32, #tpu.memory_space<vmem>>, vector<16xf32>,
          %get3A_167 = arith.index_cast %add3A_147 : i32 to index
          %get3A_168 = arith.constant 16 : index
          %get3A_169 = tpu.vector_load %arg17[%get3A_167, %get3A_168] {strides = array<i32>} : memref<80x128xf32, #tpu.memory_space<vmem>>, vector<16xf32>,
          %get3A_170 = arith.index_cast %add3A_147 : i32 to index
          %get3A_171 = arith.constant 16 : index
          %get3A_172 = tpu.vector_load %arg18[%get3A_170, %get3A_171] {strides = array<i32>} : memref<80x256xf32, #tpu.memory_space<vmem>>, vector<16xf32>,
          %get3A_173 = arith.index_cast %add3A_147 : i32 to index
          %get3A_174 = arith.constant 144 : index
          %get3A_175 = tpu.vector_load %arg18[%get3A_173, %get3A_174] {strides = array<i32>} : memref<80x256xf32, #tpu.memory_space<vmem>>, vector<16xf32>,
          %mul3A_176 = arith.mulf %get3A_166, %get3A_172 : vector<16xf32>
          %mul3A_177 = arith.mulf %get3A_169, %get3A_175 : vector<16xf32>
          %sub3A_178 = arith.subf %mul3A_176, %mul3A_177 : vector<16xf32>
          %abs3A_179 = math.absf %sub3A_178 : vector<16xf32>
          %add3A_180 = arith.addf %add3A_163, %abs3A_179 : vector<16xf32>
          %get3A_181 = arith.index_cast %add3A_147 : i32 to index
          %get3A_182 = arith.constant 32 : index
          %get3A_183 = tpu.vector_load %arg16[%get3A_181, %get3A_182] {strides = array<i32>} : memref<80x128xf32, #tpu.memory_space<vmem>>, vector<16xf32>,
          %get3A_184 = arith.index_cast %add3A_147 : i32 to index
          %get3A_185 = arith.constant 32 : index
          %get3A_186 = tpu.vector_load %arg17[%get3A_184, %get3A_185] {strides = array<i32>} : memref<80x128xf32, #tpu.memory_space<vmem>>, vector<16xf32>,
          %get3A_187 = arith.index_cast %add3A_147 : i32 to index
          %get3A_188 = arith.constant 32 : index
          %get3A_189 = tpu.vector_load %arg18[%get3A_187, %get3A_188] {strides = array<i32>} : memref<80x256xf32, #tpu.memory_space<vmem>>, vector<16xf32>,
          %get3A_190 = arith.index_cast %add3A_147 : i32 to index
          %get3A_191 = arith.constant 160 : index
          %get3A_192 = tpu.vector_load %arg18[%get3A_190, %get3A_191] {strides = array<i32>} : memref<80x256xf32, #tpu.memory_space<vmem>>, vector<16xf32>,
          %mul3A_193 = arith.mulf %get3A_183, %get3A_189 : vector<16xf32>
          %mul3A_194 = arith.mulf %get3A_186, %get3A_192 : vector<16xf32>
          %sub3A_195 = arith.subf %mul3A_193, %mul3A_194 : vector<16xf32>
          %abs3A_196 = math.absf %sub3A_195 : vector<16xf32>
          %add3A_197 = arith.addf %add3A_180, %abs3A_196 : vector<16xf32>
          %get3A_198 = arith.index_cast %add3A_147 : i32 to index
          %get3A_199 = arith.constant 48 : index
          %get3A_200 = tpu.vector_load %arg16[%get3A_198, %get3A_199] {strides = array<i32>} : memref<80x128xf32, #tpu.memory_space<vmem>>, vector<16xf32>,
          %get3A_201 = arith.index_cast %add3A_147 : i32 to index
          %get3A_202 = arith.constant 48 : index
          %get3A_203 = tpu.vector_load %arg17[%get3A_201, %get3A_202] {strides = array<i32>} : memref<80x128xf32, #tpu.memory_space<vmem>>, vector<16xf32>,
          %get3A_204 = arith.index_cast %add3A_147 : i32 to index
          %get3A_205 = arith.constant 48 : index
          %get3A_206 = tpu.vector_load %arg18[%get3A_204, %get3A_205] {strides = array<i32>} : memref<80x256xf32, #tpu.memory_space<vmem>>, vector<16xf32>,
          %get3A_207 = arith.index_cast %add3A_147 : i32 to index
          %get3A_208 = arith.constant 176 : index
          %get3A_209 = tpu.vector_load %arg18[%get3A_207, %get3A_208] {strides = array<i32>} : memref<80x256xf32, #tpu.memory_space<vmem>>, vector<16xf32>,
          %mul3A_210 = arith.mulf %get3A_200, %get3A_206 : vector<16xf32>
          %mul3A_211 = arith.mulf %get3A_203, %get3A_209 : vector<16xf32>
          %sub3A_212 = arith.subf %mul3A_210, %mul3A_211 : vector<16xf32>
          %abs3A_213 = math.absf %sub3A_212 : vector<16xf32>
          %add3A_214 = arith.addf %add3A_197, %abs3A_213 : vector<16xf32>
          %get3A_215 = arith.index_cast %add3A_147 : i32 to index
          %get3A_216 = arith.constant 64 : index
          %get3A_217 = tpu.vector_load %arg16[%get3A_215, %get3A_216] {strides = array<i32>} : memref<80x128xf32, #tpu.memory_space<vmem>>, vector<16xf32>,
          %get3A_218 = arith.index_cast %add3A_147 : i32 to index
          %get3A_219 = arith.constant 64 : index
          %get3A_220 = tpu.vector_load %arg17[%get3A_218, %get3A_219] {strides = array<i32>} : memref<80x128xf32, #tpu.memory_space<vmem>>, vector<16xf32>,
          %get3A_221 = arith.index_cast %add3A_147 : i32 to index
          %get3A_222 = arith.constant 64 : index
          %get3A_223 = tpu.vector_load %arg18[%get3A_221, %get3A_222] {strides = array<i32>} : memref<80x256xf32, #tpu.memory_space<vmem>>, vector<16xf32>,
          %get3A_224 = arith.index_cast %add3A_147 : i32 to index
          %get3A_225 = arith.constant 192 : index
          %get3A_226 = tpu.vector_load %arg18[%get3A_224, %get3A_225] {strides = array<i32>} : memref<80x256xf32, #tpu.memory_space<vmem>>, vector<16xf32>,
          %mul3A_227 = arith.mulf %get3A_217, %get3A_223 : vector<16xf32>
          %mul3A_228 = arith.mulf %get3A_220, %get3A_226 : vector<16xf32>
          %sub3A_229 = arith.subf %mul3A_227, %mul3A_228 : vector<16xf32>
          %abs3A_230 = math.absf %sub3A_229 : vector<16xf32>
          %add3A_231 = arith.addf %add3A_214, %abs3A_230 : vector<16xf32>
          %get3A_232 = arith.index_cast %add3A_147 : i32 to index
          %get3A_233 = arith.constant 80 : index
          %get3A_234 = tpu.vector_load %arg16[%get3A_232, %get3A_233] {strides = array<i32>} : memref<80x128xf32, #tpu.memory_space<vmem>>, vector<16xf32>,
          %get3A_235 = arith.index_cast %add3A_147 : i32 to index
          %get3A_236 = arith.constant 80 : index
          %get3A_237 = tpu.vector_load %arg17[%get3A_235, %get3A_236] {strides = array<i32>} : memref<80x128xf32, #tpu.memory_space<vmem>>, vector<16xf32>,
          %get3A_238 = arith.index_cast %add3A_147 : i32 to index
          %get3A_239 = arith.constant 80 : index
          %get3A_240 = tpu.vector_load %arg18[%get3A_238, %get3A_239] {strides = array<i32>} : memref<80x256xf32, #tpu.memory_space<vmem>>, vector<16xf32>,
          %get3A_241 = arith.index_cast %add3A_147 : i32 to index
          %get3A_242 = arith.constant 208 : index
          %get3A_243 = tpu.vector_load %arg18[%get3A_241, %get3A_242] {strides = array<i32>} : memref<80x256xf32, #tpu.memory_space<vmem>>, vector<16xf32>,
          %mul3A_244 = arith.mulf %get3A_234, %get3A_240 : vector<16xf32>
          %mul3A_245 = arith.mulf %get3A_237, %get3A_243 : vector<16xf32>
          %sub3A_246 = arith.subf %mul3A_244, %mul3A_245 : vector<16xf32>
          %abs3A_247 = math.absf %sub3A_246 : vector<16xf32>
          %add3A_248 = arith.addf %add3A_231, %abs3A_247 : vector<16xf32>
          %get3A_249 = arith.index_cast %add3A_147 : i32 to index
          %get3A_250 = arith.constant 96 : index
          %get3A_251 = tpu.vector_load %arg16[%get3A_249, %get3A_250] {strides = array<i32>} : memref<80x128xf32, #tpu.memory_space<vmem>>, vector<16xf32>,
          %get3A_252 = arith.index_cast %add3A_147 : i32 to index
          %get3A_253 = arith.constant 96 : index
          %get3A_254 = tpu.vector_load %arg17[%get3A_252, %get3A_253] {strides = array<i32>} : memref<80x128xf32, #tpu.memory_space<vmem>>, vector<16xf32>,
          %get3A_255 = arith.index_cast %add3A_147 : i32 to index
          %get3A_256 = arith.constant 96 : index
          %get3A_257 = tpu.vector_load %arg18[%get3A_255, %get3A_256] {strides = array<i32>} : memref<80x256xf32, #tpu.memory_space<vmem>>, vector<16xf32>,
          %get3A_258 = arith.index_cast %add3A_147 : i32 to index
          %get3A_259 = arith.constant 224 : index
          %get3A_260 = tpu.vector_load %arg18[%get3A_258, %get3A_259] {strides = array<i32>} : memref<80x256xf32, #tpu.memory_space<vmem>>, vector<16xf32>,
          %mul3A_261 = arith.mulf %get3A_251, %get3A_257 : vector<16xf32>
          %mul3A_262 = arith.mulf %get3A_254, %get3A_260 : vector<16xf32>
          %sub3A_263 = arith.subf %mul3A_261, %mul3A_262 : vector<16xf32>
          %abs3A_264 = math.absf %sub3A_263 : vector<16xf32>
          %add3A_265 = arith.addf %add3A_248, %abs3A_264 : vector<16xf32>
          %get3A_266 = arith.index_cast %add3A_147 : i32 to index
          %get3A_267 = arith.constant 112 : index
          %get3A_268 = tpu.vector_load %arg16[%get3A_266, %get3A_267] {strides = array<i32>} : memref<80x128xf32, #tpu.memory_space<vmem>>, vector<16xf32>,
          %get3A_269 = arith.index_cast %add3A_147 : i32 to index
          %get3A_270 = arith.constant 112 : index
          %get3A_271 = tpu.vector_load %arg17[%get3A_269, %get3A_270] {strides = array<i32>} : memref<80x128xf32, #tpu.memory_space<vmem>>, vector<16xf32>,
          %get3A_272 = arith.index_cast %add3A_147 : i32 to index
          %get3A_273 = arith.constant 112 : index
          %get3A_274 = tpu.vector_load %arg18[%get3A_272, %get3A_273] {strides = array<i32>} : memref<80x256xf32, #tpu.memory_space<vmem>>, vector<16xf32>,
          %get3A_275 = arith.index_cast %add3A_147 : i32 to index
          %get3A_276 = arith.constant 240 : index
          %get3A_277 = tpu.vector_load %arg18[%get3A_275, %get3A_276] {strides = array<i32>} : memref<80x256xf32, #tpu.memory_space<vmem>>, vector<16xf32>,
          %mul3A_278 = arith.mulf %get3A_268, %get3A_274 : vector<16xf32>
          %mul3A_279 = arith.mulf %get3A_271, %get3A_277 : vector<16xf32>
          %sub3A_280 = arith.subf %mul3A_278, %mul3A_279 : vector<16xf32>
          %abs3A_281 = math.absf %sub3A_280 : vector<16xf32>
          %add3A_282 = arith.addf %add3A_265, %abs3A_281 : vector<16xf32>
          %reduce_sum3A = arith.constant true
          %reduce_sum3A_283 = vector.broadcast %reduce_sum3A : i1 to vector<16xi1>
          %reduce_sum3A_284 = tpu.scan <sum>, %add3A_282 masked %reduce_sum3A_283 : vector<16xf32>, vector<16xi1> -> vector<16xf32>
          %reduce_sum3A_285 = vector.extract %reduce_sum3A_284[15] : f32 from vector<16xf32>
          %sub3A_286 = arith.constant 1.200000e+01 : f32
          %sub3A_287 = arith.subf %sub3A_286, %reduce_sum3A_285 : f32
          %eq3A = vector.broadcast %scan3A_143 : i32 to vector<16xi32>
          %eq3A_288 = arith.cmpi eq, %iota3A_120, %eq3A : vector<16xi32>
          %broadcast_in_dim3A_289 = vector.broadcast %sub3A_287 : f32 to vector<16xf32>
          %select_n3A = arith.select %eq3A_288, %broadcast_in_dim3A_289, %scan3A_144 : vector<16xi1>, vector<16xf32>
          scf.yield %select_n3A : vector<16xf32>
        }
        %scan3A_137 = arith.constant 16 : i32
        %mul3A_138 = arith.constant 16 : i32
        %mul3A_139 = arith.muli %scan3A_129, %mul3A_138 : i32
        %add3A_140 = arith.addi %add3A_119, %mul3A_139 : i32
        %swap3A = arith.index_cast %add3A_140 : i32 to index
        %swap3A_141 = tpu.vector_load %arg9[%swap3A] {strides = array<i32>} : memref<10000xf32, #tpu.memory_space<vmem>>, vector<16xf32>,
        tpu.vector_store %arg9[%swap3A], %scan3A_136 {strides = array<i32>} : memref<10000xf32, #tpu.memory_space<vmem>>, vector<16xf32>,
        %scan3A_142 = arith.constant 0 : i32
        scf.yield %scan3A_142 : i32
      }
      %scan3A_127 = arith.constant 5 : i32
      %scan3A_128 = arith.constant 0 : i32
      scf.yield %scan3A_128 : i32
    }
    %scan3A_23 = arith.constant 62 : i32
    %add3A_24 = arith.constant 9920 : i32
    %add3A_25 = arith.addi %mul3A_2, %add3A_24 : i32
    %dma_wait3A = arith.constant 0 : i32
    %dma_wait3A_26 = tpu.memref_slice %arg5[%add3A_25, %dma_wait3A] : memref<320000x256xf32, #tpu.memory_space<hbm>> -> memref<80x256xf32, #tpu.memory_space<hbm>>
    %dma_wait3A_27 = arith.constant 0 : i32
    %dma_wait3A_28 = tpu.memref_slice %arg5[%add3A_25, %dma_wait3A_27] : memref<320000x256xf32, #tpu.memory_space<hbm>> -> memref<80x256xf32, #tpu.memory_space<hbm>>
    tpu.wait_dma2 semaphore(%arg15 : memref<!tpu.dma_semaphore, #tpu.memory_space<semaphore_mem>>) src(%dma_wait3A_28 : memref<80x256xf32, #tpu.memory_space<hbm>>) dst(%arg12 : memref<80x256xf32, #tpu.memory_space<vmem>>)
    %dma_wait3A_29 = arith.constant 9920 : i32
    %dma_wait3A_30 = tpu.memref_slice %arg7[%dma_wait3A_29] : memref<10000xi32, #tpu.memory_space<vmem>> -> memref<80xi32, #tpu.memory_space<vmem>>
    %dma_wait3A_31 = arith.constant 0 : i32
    %dma_wait3A_32 = arith.constant 0 : i32
    %dma_wait3A_33 = tpu.memref_slice %arg2[%dma_wait3A_31, %dma_wait3A_32] : memref<10000x128xf32, #tpu.memory_space<hbm>> -> memref<10000x128xf32, #tpu.memory_space<hbm>>
    tpu.wait_indirect_dma semaphore(%arg13 : memref<!tpu.dma_semaphore, #tpu.memory_space<semaphore_mem>>) src(%dma_wait3A_33 : memref<10000x128xf32, #tpu.memory_space<hbm>>) dst(%arg10 : memref<80x128xf32, #tpu.memory_space<vmem>>)
    %dma_wait3A_34 = arith.constant 9920 : i32
    %dma_wait3A_35 = tpu.memref_slice %arg8[%dma_wait3A_34] : memref<10000xi32, #tpu.memory_space<vmem>> -> memref<80xi32, #tpu.memory_space<vmem>>
    %dma_wait3A_36 = arith.constant 0 : i32
    %dma_wait3A_37 = arith.constant 0 : i32
    %dma_wait3A_38 = tpu.memref_slice %arg2[%dma_wait3A_36, %dma_wait3A_37] : memref<10000x128xf32, #tpu.memory_space<hbm>> -> memref<10000x128xf32, #tpu.memory_space<hbm>>
    tpu.wait_indirect_dma semaphore(%arg14 : memref<!tpu.dma_semaphore, #tpu.memory_space<semaphore_mem>>) src(%dma_wait3A_38 : memref<10000x128xf32, #tpu.memory_space<hbm>>) dst(%arg11 : memref<80x128xf32, #tpu.memory_space<vmem>>)
    %iota3A = tpu.iota {dimensions = array<i32: 0>} : vector<16xi32>
    %scan3A_39 = arith.constant 0 : i32
    %scan3A_40 = arith.constant 0 : i32
    %scan3A_41 = arith.constant 5 : i32
    %scan3A_42 = arith.addi %scan3A_40, %scan3A_41 : i32
    %scan3A_43 = arith.constant 1 : i32
    %scan3A_44 = scf.for %scan3A_46 = %scan3A_40 to %scan3A_42 step %scan3A_43 iter_args(%scan3A_47 = %scan3A_39) -> (i32)  : i32 {
      %broadcast_in_dim3A = arith.constant 0.000000e+00 : f32
      %broadcast_in_dim3A_48 = vector.broadcast %broadcast_in_dim3A : f32 to vector<16xf32>
      %scan3A_49 = arith.constant 0 : i32
      %scan3A_50 = arith.constant 16 : i32
      %scan3A_51 = arith.addi %scan3A_49, %scan3A_50 : i32
      %scan3A_52 = arith.constant 1 : i32
      %scan3A_53 = scf.for %scan3A_61 = %scan3A_49 to %scan3A_51 step %scan3A_52 iter_args(%scan3A_62 = %broadcast_in_dim3A_48) -> (vector<16xf32>)  : i32 {
        %mul3A_63 = arith.constant 16 : i32
        %mul3A_64 = arith.muli %scan3A_46, %mul3A_63 : i32
        %add3A_65 = arith.addi %mul3A_64, %scan3A_61 : i32
        %broadcast_in_dim3A_66 = arith.constant 0.000000e+00 : f32
        %broadcast_in_dim3A_67 = vector.broadcast %broadcast_in_dim3A_66 : f32 to vector<16xf32>
        %get3A = arith.index_cast %add3A_65 : i32 to index
        %get3A_68 = arith.constant 0 : index
        %get3A_69 = tpu.vector_load %arg10[%get3A, %get3A_68] {strides = array<i32>} : memref<80x128xf32, #tpu.memory_space<vmem>>, vector<16xf32>,
        %get3A_70 = arith.index_cast %add3A_65 : i32 to index
        %get3A_71 = arith.constant 0 : index
        %get3A_72 = tpu.vector_load %arg11[%get3A_70, %get3A_71] {strides = array<i32>} : memref<80x128xf32, #tpu.memory_space<vmem>>, vector<16xf32>,
        %get3A_73 = arith.index_cast %add3A_65 : i32 to index
        %get3A_74 = arith.constant 0 : index
        %get3A_75 = tpu.vector_load %arg12[%get3A_73, %get3A_74] {strides = array<i32>} : memref<80x256xf32, #tpu.memory_space<vmem>>, vector<16xf32>,
        %get3A_76 = arith.index_cast %add3A_65 : i32 to index
        %get3A_77 = arith.constant 128 : index
        %get3A_78 = tpu.vector_load %arg12[%get3A_76, %get3A_77] {strides = array<i32>} : memref<80x256xf32, #tpu.memory_space<vmem>>, vector<16xf32>,
        %mul3A_79 = arith.mulf %get3A_69, %get3A_75 : vector<16xf32>
        %mul3A_80 = arith.mulf %get3A_72, %get3A_78 : vector<16xf32>
        %sub3A = arith.subf %mul3A_79, %mul3A_80 : vector<16xf32>
        %abs3A = math.absf %sub3A : vector<16xf32>
        %add3A_81 = arith.addf %broadcast_in_dim3A_67, %abs3A : vector<16xf32>
        %get3A_82 = arith.index_cast %add3A_65 : i32 to index
        %get3A_83 = arith.constant 16 : index
        %get3A_84 = tpu.vector_load %arg10[%get3A_82, %get3A_83] {strides = array<i32>} : memref<80x128xf32, #tpu.memory_space<vmem>>, vector<16xf32>,
        %get3A_85 = arith.index_cast %add3A_65 : i32 to index
        %get3A_86 = arith.constant 16 : index
        %get3A_87 = tpu.vector_load %arg11[%get3A_85, %get3A_86] {strides = array<i32>} : memref<80x128xf32, #tpu.memory_space<vmem>>, vector<16xf32>,
        %get3A_88 = arith.index_cast %add3A_65 : i32 to index
        %get3A_89 = arith.constant 16 : index
        %get3A_90 = tpu.vector_load %arg12[%get3A_88, %get3A_89] {strides = array<i32>} : memref<80x256xf32, #tpu.memory_space<vmem>>, vector<16xf32>,
        %get3A_91 = arith.index_cast %add3A_65 : i32 to index
        %get3A_92 = arith.constant 144 : index
        %get3A_93 = tpu.vector_load %arg12[%get3A_91, %get3A_92] {strides = array<i32>} : memref<80x256xf32, #tpu.memory_space<vmem>>, vector<16xf32>,
        %mul3A_94 = arith.mulf %get3A_84, %get3A_90 : vector<16xf32>
        %mul3A_95 = arith.mulf %get3A_87, %get3A_93 : vector<16xf32>
        %sub3A_96 = arith.subf %mul3A_94, %mul3A_95 : vector<16xf32>
        %abs3A_97 = math.absf %sub3A_96 : vector<16xf32>
        %add3A_98 = arith.addf %add3A_81, %abs3A_97 : vector<16xf32>
        %get3A_99 = arith.index_cast %add3A_65 : i32 to index
        %get3A_100 = arith.constant 32 : index
        %get3A_101 = tpu.vector_load %arg10[%get3A_99, %get3A_100] {strides = array<i32>} : memref<80x128xf32, #tpu.memory_space<vmem>>, vector<16xf32>,
        %get3A_102 = arith.index_cast %add3A_65 : i32 to index
        %get3A_103 = arith.constant 32 : index
        %get3A_104 = tpu.vector_load %arg11[%get3A_102, %get3A_103] {strides = array<i32>} : memref<80x128xf32, #tpu.memory_space<vmem>>, vector<16xf32>,
        %get3A_105 = arith.index_cast %add3A_65 : i32 to index
        %get3A_106 = arith.constant 32 : index
        %get3A_107 = tpu.vector_load %arg12[%get3A_105, %get3A_106] {strides = array<i32>} : memref<80x256xf32, #tpu.memory_space<vmem>>, vector<16xf32>,
        %get3A_108 = arith.index_cast %add3A_65 : i32 to index
        %get3A_109 = arith.constant 160 : index
        %get3A_110 = tpu.vector_load %arg12[%get3A_108, %get3A_109] {strides = array<i32>} : memref<80x256xf32, #tpu.memory_space<vmem>>, vector<16xf32>,
        %mul3A_111 = arith.mulf %get3A_101, %get3A_107 : vector<16xf32>
        %mul3A_112 = arith.mulf %get3A_104, %get3A_110 : vector<16xf32>
        %sub3A_113 = arith.subf %mul3A_111, %mul3A_112 : vector<16xf32>
        %abs3A_114 = math.absf %sub3A_113 : vector<16xf32>
        %add3A_115 = arith.addf %add3A_98, %abs3A_114 : vector<16xf32>
        %get3A_116 = arith.index_cast %add3A_65 : i32 to index
        %get3A_117 = arith.constant 48 : index
        %get3A_118 = tpu.vector_load %arg10[%get3A_116, %get3A_117] {strides = array<i32>} : memref<80x128xf32, #tpu.memory_space<vmem>>, vector<16xf32>,
        %get3A_119 = arith.index_cast %add3A_65 : i32 to index
        %get3A_120 = arith.constant 48 : index
        %get3A_121 = tpu.vector_load %arg11[%get3A_119, %get3A_120] {strides = array<i32>} : memref<80x128xf32, #tpu.memory_space<vmem>>, vector<16xf32>,
        %get3A_122 = arith.index_cast %add3A_65 : i32 to index
        %get3A_123 = arith.constant 48 : index
        %get3A_124 = tpu.vector_load %arg12[%get3A_122, %get3A_123] {strides = array<i32>} : memref<80x256xf32, #tpu.memory_space<vmem>>, vector<16xf32>,
        %get3A_125 = arith.index_cast %add3A_65 : i32 to index
        %get3A_126 = arith.constant 176 : index
        %get3A_127 = tpu.vector_load %arg12[%get3A_125, %get3A_126] {strides = array<i32>} : memref<80x256xf32, #tpu.memory_space<vmem>>, vector<16xf32>,
        %mul3A_128 = arith.mulf %get3A_118, %get3A_124 : vector<16xf32>
        %mul3A_129 = arith.mulf %get3A_121, %get3A_127 : vector<16xf32>
        %sub3A_130 = arith.subf %mul3A_128, %mul3A_129 : vector<16xf32>
        %abs3A_131 = math.absf %sub3A_130 : vector<16xf32>
        %add3A_132 = arith.addf %add3A_115, %abs3A_131 : vector<16xf32>
        %get3A_133 = arith.index_cast %add3A_65 : i32 to index
        %get3A_134 = arith.constant 64 : index
        %get3A_135 = tpu.vector_load %arg10[%get3A_133, %get3A_134] {strides = array<i32>} : memref<80x128xf32, #tpu.memory_space<vmem>>, vector<16xf32>,
        %get3A_136 = arith.index_cast %add3A_65 : i32 to index
        %get3A_137 = arith.constant 64 : index
        %get3A_138 = tpu.vector_load %arg11[%get3A_136, %get3A_137] {strides = array<i32>} : memref<80x128xf32, #tpu.memory_space<vmem>>, vector<16xf32>,
        %get3A_139 = arith.index_cast %add3A_65 : i32 to index
        %get3A_140 = arith.constant 64 : index
        %get3A_141 = tpu.vector_load %arg12[%get3A_139, %get3A_140] {strides = array<i32>} : memref<80x256xf32, #tpu.memory_space<vmem>>, vector<16xf32>,
        %get3A_142 = arith.index_cast %add3A_65 : i32 to index
        %get3A_143 = arith.constant 192 : index
        %get3A_144 = tpu.vector_load %arg12[%get3A_142, %get3A_143] {strides = array<i32>} : memref<80x256xf32, #tpu.memory_space<vmem>>, vector<16xf32>,
        %mul3A_145 = arith.mulf %get3A_135, %get3A_141 : vector<16xf32>
        %mul3A_146 = arith.mulf %get3A_138, %get3A_144 : vector<16xf32>
        %sub3A_147 = arith.subf %mul3A_145, %mul3A_146 : vector<16xf32>
        %abs3A_148 = math.absf %sub3A_147 : vector<16xf32>
        %add3A_149 = arith.addf %add3A_132, %abs3A_148 : vector<16xf32>
        %get3A_150 = arith.index_cast %add3A_65 : i32 to index
        %get3A_151 = arith.constant 80 : index
        %get3A_152 = tpu.vector_load %arg10[%get3A_150, %get3A_151] {strides = array<i32>} : memref<80x128xf32, #tpu.memory_space<vmem>>, vector<16xf32>,
        %get3A_153 = arith.index_cast %add3A_65 : i32 to index
        %get3A_154 = arith.constant 80 : index
        %get3A_155 = tpu.vector_load %arg11[%get3A_153, %get3A_154] {strides = array<i32>} : memref<80x128xf32, #tpu.memory_space<vmem>>, vector<16xf32>,
        %get3A_156 = arith.index_cast %add3A_65 : i32 to index
        %get3A_157 = arith.constant 80 : index
        %get3A_158 = tpu.vector_load %arg12[%get3A_156, %get3A_157] {strides = array<i32>} : memref<80x256xf32, #tpu.memory_space<vmem>>, vector<16xf32>,
        %get3A_159 = arith.index_cast %add3A_65 : i32 to index
        %get3A_160 = arith.constant 208 : index
        %get3A_161 = tpu.vector_load %arg12[%get3A_159, %get3A_160] {strides = array<i32>} : memref<80x256xf32, #tpu.memory_space<vmem>>, vector<16xf32>,
        %mul3A_162 = arith.mulf %get3A_152, %get3A_158 : vector<16xf32>
        %mul3A_163 = arith.mulf %get3A_155, %get3A_161 : vector<16xf32>
        %sub3A_164 = arith.subf %mul3A_162, %mul3A_163 : vector<16xf32>
        %abs3A_165 = math.absf %sub3A_164 : vector<16xf32>
        %add3A_166 = arith.addf %add3A_149, %abs3A_165 : vector<16xf32>
        %get3A_167 = arith.index_cast %add3A_65 : i32 to index
        %get3A_168 = arith.constant 96 : index
        %get3A_169 = tpu.vector_load %arg10[%get3A_167, %get3A_168] {strides = array<i32>} : memref<80x128xf32, #tpu.memory_space<vmem>>, vector<16xf32>,
        %get3A_170 = arith.index_cast %add3A_65 : i32 to index
        %get3A_171 = arith.constant 96 : index
        %get3A_172 = tpu.vector_load %arg11[%get3A_170, %get3A_171] {strides = array<i32>} : memref<80x128xf32, #tpu.memory_space<vmem>>, vector<16xf32>,
        %get3A_173 = arith.index_cast %add3A_65 : i32 to index
        %get3A_174 = arith.constant 96 : index
        %get3A_175 = tpu.vector_load %arg12[%get3A_173, %get3A_174] {strides = array<i32>} : memref<80x256xf32, #tpu.memory_space<vmem>>, vector<16xf32>,
        %get3A_176 = arith.index_cast %add3A_65 : i32 to index
        %get3A_177 = arith.constant 224 : index
        %get3A_178 = tpu.vector_load %arg12[%get3A_176, %get3A_177] {strides = array<i32>} : memref<80x256xf32, #tpu.memory_space<vmem>>, vector<16xf32>,
        %mul3A_179 = arith.mulf %get3A_169, %get3A_175 : vector<16xf32>
        %mul3A_180 = arith.mulf %get3A_172, %get3A_178 : vector<16xf32>
        %sub3A_181 = arith.subf %mul3A_179, %mul3A_180 : vector<16xf32>
        %abs3A_182 = math.absf %sub3A_181 : vector<16xf32>
        %add3A_183 = arith.addf %add3A_166, %abs3A_182 : vector<16xf32>
        %get3A_184 = arith.index_cast %add3A_65 : i32 to index
        %get3A_185 = arith.constant 112 : index
        %get3A_186 = tpu.vector_load %arg10[%get3A_184, %get3A_185] {strides = array<i32>} : memref<80x128xf32, #tpu.memory_space<vmem>>, vector<16xf32>,
        %get3A_187 = arith.index_cast %add3A_65 : i32 to index
        %get3A_188 = arith.constant 112 : index
        %get3A_189 = tpu.vector_load %arg11[%get3A_187, %get3A_188] {strides = array<i32>} : memref<80x128xf32, #tpu.memory_space<vmem>>, vector<16xf32>,
        %get3A_190 = arith.index_cast %add3A_65 : i32 to index
        %get3A_191 = arith.constant 112 : index
        %get3A_192 = tpu.vector_load %arg12[%get3A_190, %get3A_191] {strides = array<i32>} : memref<80x256xf32, #tpu.memory_space<vmem>>, vector<16xf32>,
        %get3A_193 = arith.index_cast %add3A_65 : i32 to index
        %get3A_194 = arith.constant 240 : index
        %get3A_195 = tpu.vector_load %arg12[%get3A_193, %get3A_194] {strides = array<i32>} : memref<80x256xf32, #tpu.memory_space<vmem>>, vector<16xf32>,
        %mul3A_196 = arith.mulf %get3A_186, %get3A_192 : vector<16xf32>
        %mul3A_197 = arith.mulf %get3A_189, %get3A_195 : vector<16xf32>
        %sub3A_198 = arith.subf %mul3A_196, %mul3A_197 : vector<16xf32>
        %abs3A_199 = math.absf %sub3A_198 : vector<16xf32>
        %add3A_200 = arith.addf %add3A_183, %abs3A_199 : vector<16xf32>
        %reduce_sum3A = arith.constant true
        %reduce_sum3A_201 = vector.broadcast %reduce_sum3A : i1 to vector<16xi1>
        %reduce_sum3A_202 = tpu.scan <sum>, %add3A_200 masked %reduce_sum3A_201 : vector<16xf32>, vector<16xi1> -> vector<16xf32>
        %reduce_sum3A_203 = vector.extract %reduce_sum3A_202[15] : f32 from vector<16xf32>
        %sub3A_204 = arith.constant 1.200000e+01 : f32
        %sub3A_205 = arith.subf %sub3A_204, %reduce_sum3A_203 : f32
        %eq3A = vector.broadcast %scan3A_61 : i32 to vector<16xi32>
        %eq3A_206 = arith.cmpi eq, %iota3A, %eq3A : vector<16xi32>
        %broadcast_in_dim3A_207 = vector.broadcast %sub3A_205 : f32 to vector<16xf32>
        %select_n3A = arith.select %eq3A_206, %broadcast_in_dim3A_207, %scan3A_62 : vector<16xi1>, vector<16xf32>
        scf.yield %select_n3A : vector<16xf32>
      }
      %scan3A_54 = arith.constant 16 : i32
      %mul3A_55 = arith.constant 16 : i32
      %mul3A_56 = arith.muli %scan3A_46, %mul3A_55 : i32
      %add3A_57 = arith.constant 9920 : i32
      %add3A_58 = arith.addi %add3A_57, %mul3A_56 : i32
      %swap3A = arith.index_cast %add3A_58 : i32 to index
      %swap3A_59 = tpu.vector_load %arg9[%swap3A] {strides = array<i32>} : memref<10000xf32, #tpu.memory_space<vmem>>, vector<16xf32>,
      tpu.vector_store %arg9[%swap3A], %scan3A_53 {strides = array<i32>} : memref<10000xf32, #tpu.memory_space<vmem>>, vector<16xf32>,
      %scan3A_60 = arith.constant 0 : i32
      scf.yield %scan3A_60 : i32
    }
    %scan3A_45 = arith.constant 5 : i32
    "tpu.region"() ({
      %run_scoped3A = tpu.sem_alloc : memref<!tpu.dma_semaphore, #tpu.memory_space<semaphore_mem>>
      %dma_start3A_46 = tpu.memref_slice %arg6[%mul3A_2] : memref<320000xf32, #tpu.memory_space<hbm>> -> memref<10000xf32, #tpu.memory_space<hbm>>
      %dma_start3A_47 = tpu.memref_slice %arg6[%mul3A_2] : memref<320000xf32, #tpu.memory_space<hbm>> -> memref<10000xf32, #tpu.memory_space<hbm>>
      tpu.enqueue_dma source(%arg9 : memref<10000xf32, #tpu.memory_space<vmem>>) target(%dma_start3A_47 : memref<10000xf32, #tpu.memory_space<hbm>>) target_semaphore(%run_scoped3A : memref<!tpu.dma_semaphore, #tpu.memory_space<semaphore_mem>>)
      %dma_wait3A_48 = tpu.memref_slice %arg6[%mul3A_2] : memref<320000xf32, #tpu.memory_space<hbm>> -> memref<10000xf32, #tpu.memory_space<hbm>>
      %dma_wait3A_49 = tpu.memref_slice %arg6[%mul3A_2] : memref<320000xf32, #tpu.memory_space<hbm>> -> memref<10000xf32, #tpu.memory_space<hbm>>
      tpu.wait_dma2 semaphore(%run_scoped3A : memref<!tpu.dma_semaphore, #tpu.memory_space<semaphore_mem>>) src(%arg9 : memref<10000xf32, #tpu.memory_space<vmem>>) dst(%dma_wait3A_49 : memref<10000xf32, #tpu.memory_space<hbm>>)
      tpu.yield
    }) : () -> ()
    return
  }
}

module attributes {stable_mosaic.version = 14 : i64} {
  func.func @_normalize_body(%arg0: memref<10000x128xf32, #tpu.memory_space<vmem>>, %arg1: memref<10000x128xf32, #tpu.memory_space<vmem>>) attributes {dimension_semantics = [], scalar_prefetch = 0 : i64, scratch_operands = 0 : i64, tpu.core_type = #tpu.core_type<tc>} {
    %get3A = arith.constant 0 : index
    %get3A_0 = arith.constant 0 : index
    %get3A_1 = vector.load %arg0[%get3A, %get3A_0] : memref<10000x128xf32, #tpu.memory_space<vmem>>, vector<10000x128xf32>
    %mul3A = arith.mulf %get3A_1, %get3A_1 : vector<10000x128xf32>
    %reduce_sum3A = arith.constant dense<0.000000e+00> : vector<10000xf32>
    %reduce_sum3A_2 = vector.multi_reduction <add>, %mul3A, %reduce_sum3A [1] : vector<10000x128xf32> to vector<10000xf32>
    %broadcast_in_dim3A = vector.shape_cast %reduce_sum3A_2 : vector<10000xf32> to vector<10000x1xf32>
    %sqrt3A = math.sqrt %broadcast_in_dim3A : vector<10000x1xf32>
    %max3A = arith.constant 9.99999996E-13 : f32
    %max3A_3 = vector.broadcast %max3A : f32 to vector<10000x1xf32>
    %max3A_4 = arith.maximumf %sqrt3A, %max3A_3 : vector<10000x1xf32>
    %div3A = vector.broadcast %max3A_4 : vector<10000x1xf32> to vector<10000x128xf32>
    %div3A_5 = arith.divf %get3A_1, %div3A : vector<10000x128xf32>
    %swap3A = arith.constant 0 : index
    %swap3A_6 = arith.constant 0 : index
    %swap3A_7 = vector.load %arg1[%swap3A, %swap3A_6] : memref<10000x128xf32, #tpu.memory_space<vmem>>, vector<10000x128xf32>
    tpu.vector_store %arg1[%swap3A, %swap3A_6], %div3A_5 {strides = array<i32>} : memref<10000x128xf32, #tpu.memory_space<vmem>>, vector<10000x128xf32>,
    return
  }
}

</mosaic_0001>

<sc_bundles>
// kernel: kernel.4.cloned.1.call-start
scs
__scs_entry_jumppad:
0x0: {  	(pc) =	sbr.rel $0x88, $3  }
0x1: {  	(tag) =	ssettag $0x0;
	lr =	simm.s32 $0x1  }
0x2: {  	[smem:$0x3F9E] =	sst lr;
	_ =	strace $0xD0000000  }
0x3: {  	_ = 	snop  }
0x4: {  	_ = 	snop  }
0x5: {  	_ = 	snop  }
0x6: {  	_ = 	snop  }
0x7: {  	_ = 	snop  }
__scs_overlays_trampoline_lowered:
0x8: {  	[smem:$0x3FAD] =	sst s0  }
0x9: {  	[smem:$0x3FAE] =	sst s1  }
0xa: {  	[smem:$0x3FAF] =	sst s2  }
0xb: {  	[smem:$0x3FB0] =	sst s3  }
0xc: {  	[smem:$0x3FB1] =	sst s4  }
0xd: {  	[smem:$0x3FB2] =	sst s5  }
0xe: {  	[smem:$0x3FB3] =	sst s6  }
0xf: {  	[smem:$0x3FB4] =	sst s7  }
0x10: {  	[smem:$0x3FB5] =	sst s8  }
0x11: {  	[smem:$0x3FB6] =	sst s9;
	s0 =	simm.s32 @!p0 $0x0  }
0x12: {  	s1 =	sld [smem:$0x3F9C];
	s0 =	simm.s32 @p0 $0x1  }
0x13: {  	[smem:$0x3FB7] =	sst s0;
	s0 =	simm.s32 @!p1 $0x0  }
0x14: {  	s2 =	sld [smem:$0x3F9B];
	s0 =	simm.s32 @p1 $0x1  }
0x15: {  	[smem:$0x3FB8] =	sst s0;
	s0 =	simm.s32 @!p2 $0x0  }
0x16: {  	s3 =	sld [smem:$0x3FDB];
	s0 =	simm.s32 @p2 $0x1  }
0x17: {  	s4 =	simm.s32 $0x1BF5;
	[smem:$0x3FBA] =	sst s0  }
0x18: {  	s0 =	sld [smem:$0x3F9D];
	_ =	swait.ge [sflag:s4], $0x0  }
0x19: {  	s7 =	sld [smem:$0x3F9E]  }
0x1a: {  	s8 =	sadd.s32 $0xFFFFE003, lr  }
0x1b: {  	s9 =	sadd.s32 $0xFFFFFEF7, lr;
	s5 =	simm.s32 $0xFFFFFFFF;
	p2 =	slt.u32 s8, $0xFFFFF086  }
0x1c: {  	p1 =	slt.u32 s9, $0xF7A;
	s5 =	simm.s32 @!p2 $0x0  }
0x1d: {  	s5 =	simm.s32 @p1 $0x1;
	p0 =	seq.s32 s7, s2  }
0x1e: {  	s7 =	smul.u32 @!p0 $0xF7A, s2;
	p2 =	seq.s32 @!p0 s5, $0x0  }
0x1f: {  	s9 =	smul.u32 $0xF7A, s1;
	s8 =	simm.s32 @!p0 $0x1BF5;
	p2 =	por !p2, p0  }
0x20: {  	[sflag:s8] =	ssyncset.s32 @!p0 $0xFFFFF086;
	s6 =	sadd.s32 @!p0 s3, s7;
	s7 =	simm.s32 @!p0 $0x108  }
0x21: {  	s3 =	sadd.s32 s3, s9;
	s6 =	sadd.s32 @!p0 $0x88, s6;
	s7 =	simm.s32 @p2 $0x1082  }
0x22: {  	[simem:s7], [sflag:s8] =	dma.local @!p0 [hbm:s6], $0xF7A  }
0x23: {  	s9 =	sor.u32 $0xD0000000, s2;
	s6 =	simm.s32 $0x108;
	_ =	swait.ge @!p0 [sflag:s8], $0x0  }
0x24: {  	s3 =	sadd.s32 $0x88, s3;
	s6 =	simm.s32 @!p1 $0x1082;
	[sflag:s4] =	ssyncset.s32 $0xFFFFF086  }
0x25: {  	[simem:s6], [sflag:s4] =	dma.local [hbm:s3], $0xF7A  }
0x26: {  	[smem:$0x3F9E] =	sst s1;
	(tag) =	ssettag s2;
	_ =	strace s9  }
0x27: {  	s1 =	sld [smem:$0x3FAE]  }
0x28: {  	s2 =	sld [smem:$0x3FAF]  }
0x29: {  	s4 =	sld [smem:$0x3FB1]  }
0x2a: {  	p0 =	seq.s32 s5, $0x0;
	s5 =	sld [smem:$0x3FB2]  }
0x2b: {  	s6 =	sld [smem:$0x3FB3]  }
0x2c: {  	s7 =	sld [smem:$0x3FB4]  }
0x2d: {  	s3 =	simm.s32 $0x108;
	s8 =	sld [smem:$0x3FB5]  }
0x2e: {  	s3 =	simm.s32 @!p0 $0x1082;
	s9 =	sld [smem:$0x3FB6]  }
0x2f: {  	lr =	sadd.s32 s0, s3;
	s0 =	sld [smem:$0x3FAD]  }
0x30: {  	s3 =	sld [smem:$0x3FB0]  }
0x31: {  	[smem:$0x3FB9] =	sst s10  }
0x32: {  	s10 =	sld [smem:$0x3FB7];
	_ =	sdelay $0x3  }
0x33: {  	p0 =	seq.s32 s10, $0x1;
	s10 =	sld [smem:$0x3FB9];
	_ =	sdelay $0x3  }
0x34: {  	[smem:$0x3FB9] =	sst s10  }
0x35: {  	s10 =	sld [smem:$0x3FB8];
	_ =	sdelay $0x3  }
0x36: {  	p1 =	seq.s32 s10, $0x1;
	s10 =	sld [smem:$0x3FB9];
	_ =	sdelay $0x3  }
0x37: {  	[smem:$0x3FB9] =	sst s10  }
0x38: {  	s10 =	sld [smem:$0x3FBA]  }
0x39: {  	_ = 	snop;
	(pc) =	sbr.ind lr, $3  }
0x3a: {  	_ = 	snop  }
0x3b: {  	_ = 	snop  }
0x3c: {  	p2 =	seq.s32 s10, $0x1;
	s10 =	sld [smem:$0x3FB9]  }
0x3d: {  	_ =	shalt  }
0x3e: {  	_ =	shalt  }
0x3f: {  	_ =	shalt  }
0x40: {  	_ =	shalt  }
0x41: {  	_ =	shalt  }
0x42: {  	_ =	shalt  }
0x43: {  	_ =	shalt  }
0x44: {  	_ =	shalt  }
0x45: {  	_ =	shalt  }
0x46: {  	_ =	shalt  }
0x47: {  	_ =	shalt  }
0x48: {  	_ =	shalt  }
0x49: {  	_ =	shalt  }
0x4a: {  	_ =	shalt  }
0x4b: {  	_ =	shalt  }
0x4c: {  	_ =	shalt  }
0x4d: {  	_ =	shalt  }
0x4e: {  	_ =	shalt  }
0x4f: {  	_ =	shalt  }
0x50: {  	_ =	shalt  }
0x51: {  	_ =	shalt  }
0x52: {  	_ =	shalt  }
0x53: {  	_ =	shalt  }
0x54: {  	_ =	shalt  }
0x55: {  	_ =	shalt  }
0x56: {  	_ =	shalt  }
0x57: {  	_ =	shalt  }
0x58: {  	_ =	shalt  }
0x59: {  	_ =	shalt  }
0x5a: {  	_ =	shalt  }
0x5b: {  	_ =	shalt  }
0x5c: {  	_ =	shalt  }
0x5d: {  	_ =	shalt  }
0x5e: {  	_ =	shalt  }
0x5f: {  	_ =	shalt  }
0x60: {  	_ =	shalt  }
0x61: {  	_ =	shalt  }
0x62: {  	_ =	shalt  }
0x63: {  	_ =	shalt  }
0x64: {  	_ =	shalt  }
0x65: {  	_ =	shalt  }
0x66: {  	_ =	shalt  }
0x67: {  	_ =	shalt  }
0x68: {  	_ =	shalt  }
0x69: {  	_ =	shalt  }
0x6a: {  	_ =	shalt  }
0x6b: {  	_ =	shalt  }
0x6c: {  	_ =	shalt  }
0x6d: {  	_ =	shalt  }
0x6e: {  	_ =	shalt  }
0x6f: {  	_ =	shalt  }
0x70: {  	_ =	shalt  }
0x71: {  	_ =	shalt  }
0x72: {  	_ =	shalt  }
0x73: {  	_ =	shalt  }
0x74: {  	_ =	shalt  }
0x75: {  	_ =	shalt  }
0x76: {  	_ =	shalt  }
0x77: {  	_ =	shalt  }
0x78: {  	_ =	shalt  }
0x79: {  	_ =	shalt  }
0x7a: {  	_ =	shalt  }
0x7b: {  	_ =	shalt  }
0x7c: {  	_ =	shalt  }
0x7d: {  	_ =	shalt  }
0x7e: {  	_ =	shalt  }
0x7f: {  	_ =	shalt  }
0x80: {  	_ =	shalt  }
0x81: {  	_ =	shalt  }
0x82: {  	_ =	shalt  }
0x83: {  	_ =	shalt  }
0x84: {  	_ =	shalt  }
0x85: {  	_ =	shalt  }
0x86: {  	_ =	shalt  }
0x87: {  	_ =	shalt  }
.Lfunc_end0:
.L_simem_size_0:
called_computation_lowered:
.L_overlay_start_0:
0x88: {  	s2 =	sld [smem:$0x3FD9]  }
0x89: {  	s3 =	sld [smem:$0x3FFE];
	_ =	sdelay $0x1  }
0x8a: {  	s1 =	srdreg.scid  }
0x8b: {  	s0 =	sand.u32 $0x1, s1  }
0x8c: {  	s17 =	sshll.u32 s0, $0xA;
	s2 =	sadd.s32 s3, s2  }
0x8d: {  	s2 =	sadd.s32 s2, s17  }
0x8e: {  	[smem:$0x3FC5] =	sst s2  }
0x8f: {  	_ = 	snop  }
0x90: {  	s2 =	sld [smem:$0x3FC7];
	(tm) =	ssettm $0x1  }
0x91: {  	s18 =	sld [smem:$0x3FFB];
	_ =	sdelay $0x3  }
0x92: {  	_ =	strace s18  }
0x93: {  	s3 =	sld [smem:$0x3FFC];
	_ =	sdelay $0x3  }
0x94: {  	_ =	strace s3  }
0x95: {  	s3 =	sld [smem:$0x3FFD];
	_ =	sdelay $0x3  }
0x96: {  	_ =	strace s3  }
0x97: {  	_ =	strace $0x8FFFFFFF  }
0x98: {  	s19 =	sld [smem:$0x3FDB];
	_ =	sdelay $0x1  }
0x99: {  	s4 =	simm.s32 $_scs_section_size  }
0x9a: {  	s5 =	simm.s32 $_size__tile_overlayer_lowered;
	s6 =	simm.s32 $_tile_overlayer_lowered  }
0x9b: {  	s22 =	simm.s32 $0x1BFF;
	s21 =	sshll.u32 s6, $0x1;
	s3 =	sadd.s32 s4, s19  }
0x9c: {  	s7 =	simm.s32 $0x0;
	s20 =	sshll.u32 s5, $0x1;
	s5 =	sadd.s32 s21, s3  }
0x9d: {  	[timem:s7], [sflag:s22] =	dma.local [hbm:s5], s20  }
0x9e: {  	_ =	swait.ge [sflag:s22], s20  }
0x9f: {  	s4 =	ssub.s32 $0x0, s20;
	[sflag:s22] =	ssyncset.done $0x0  }
0xa0: {  	[sflag:s22] =	ssyncadd.s32 s4;
	_ =	sdelay $0x1  }
0xa1: {  	s23 =	simm.s32 $0x1B8B  }
0xa2: {  	_ =	swait.ge [sflag:s23], $0x1  }
0xa3: {  	[sflag:s23] =	ssyncset.done $0x0  }
0xa4: {  	s25 =	simm.s32 $0x1B8E;
	s24 =	sld [smem:$0x3FFE];
	[sflag:s23] =	ssyncadd.s32 $0xFFFFFFFF  }
0xa5: {  	s26 =	simm.s32 $execute0_lowered;
	[smem:$0x3FD2] =	sst s25  }
0xa6: {  	s5 =	sshll.u32 s26, $0x1;
	_ =	strace $0x80000046;
	[dreg:$0x1] =	wrdreg $0xFFFFFFFF  }
0xa7: {  	s28 =	simm.s32 $_size_execute0_lowered;
	s3 =	sadd.s32 s3, s5;
	[dreg:$0x0] =	wrdreg $0x0  }
0xa8: {  	s5 =	sshll.u32 s28, $0x1;
	[dreg:$0x2] =	wrdreg s3  }
0xa9: {  	[dreg:$0x3] =	wrdreg s5  }
0xaa: {  	[dreg:$0x4] =	wrdreg $0xC0  }
0xab: {  	_ =	task [dreg:s7], $0x5FFFF  }
0xac: {  	[dreg:$0x1] =	wrdreg $0xFFFFFFFF  }
0xad: {  	[dreg:$0x0] =	wrdreg $0x60  }
0xae: {  	[dreg:$0x2] =	wrdreg s24  }
0xaf: {  	[dreg:$0x3] =	wrdreg s2  }
0xb0: {  	[dreg:$0x4] =	wrdreg $0x9  }
0xb1: {  	_ =	task.clear_ibuf [dreg:s7], $0x5FFFF;
	_ =	strace $0x90000046  }
0xb2: {  	s29 =	simm.s32 $0x9;
	_ =	strace $0x80000048  }
0xb3: {  	_ =	swait.ge [sflag:s29], $0x1  }
0xb4: {  	[sflag:s29] =	ssyncadd.s32 $0xFFFFFFFF  }
0xb5: {  	_ =	strace $0x90000048  }
0xb6: {  	_ =	sfence  }
0xb7: {  	s30 =	sld [smem:$0x0];
	_ =	sdelay $0x2  }
0xb8: {  	s31 =	sshll.u32 s1, $0xD;
	s1 =	sshrl.u32 s1, $0x2  }
0xb9: {  	s3 =	sand.u32 $0x4000, s31;
	s1 =	sadd.s32 s1, s30  }
0xba: {  	s0 =	sor.u32 s3, s0;
	s1 =	sshll.u32 s1, $0x11  }
0xbb: {  	s0 =	sor.u32 s1, s0  }
0xbc: {  	s0 =	sadd.s32 $0x8F2B, s0  }
0xbd: {  	[sflag:s0] =	ssyncadd.remote.s32 $0x1  }
0xbe: {  	_ =	sfence.sel $0xFFFF  }
0xbf: {  	[dreg:$0x0] =	wrdreg $0xFFFFFFFF;
	(pc) =	sbr.abs _section_cstart, $3  }
0xc0: {  	[dreg:$0x1] =	wrdreg $0xFFFFFFFF  }
0xc1: {  	_ =	task.clear_ibuf [dreg:s7], $0x2FFFF;
	_ =	strace $0x9FFFFFFF  }
0xc2: {  	(tm) =	ssettm $0x7FFFFFFF  }
0xc3: {  	_ =	shalt  }
tec
execute0_lowered:
.L_overlay_start_1:
0x0: {  	(tag) =	ssettag $0x1  }
0x1: {  	s0 =	rddreg [dreg:$0x0];
	s1 =	srdreg.scid  }
0x2: {  	s3 =	stileid.u32;
	s2 =	rddreg [dreg:$0x1]  }
0x3: {  	s8 =	simm.s32 $0x0;
	s13 =	simm.s32 $0xC680;
	s14 =	simm.s32 $0x50  }
0x4: {  	s15 =	simm.s32 $0x7680;
	s1 =	sand.u32 $0x1, s1;
	s3 =	sshll.u32 s3, $0x1  }
0x5: {  	s16 =	simm.s32 $0x9E80;
	s19 =	simm.s32 $0x13E80;
	s3 =	sor.u32 s1, s3  }
0x6: {  	s20 =	simm.s32 $0x3;
	s21 =	simm.s32 $0x1;
	s4 =	smul.u32 $0x2710, s3  }
0x7: {  	s22 =	simm.s32 $0x2;
	s1 =	ssub.s32 $0x2, s1;
	s3 =	smul.u32 $0x4E200, s3  }
0x8: {  	s23 =	simm.s32 $0x6;
	[smem:$0x7FF] =	sst s8;
	s6 =	sshrl.u32 s1, $0x1  }
0x9: {  	_ =	strace $0x80000047;
	s1 =	ssub.s32 s1, s6;
	s3 =	sadd.s32 s2, s3  }
0xa: {  	s7 =	sshrl.u32 s4, $0x3;
	s31 =	smax.u32 s1, $0x1;
	[dreg:$0x5] =	wrdreg s3  }
0xb: {  	s5 =	sadd.s32 $0x13C00, s0;
	s0 =	sadd.s32 s0, s7;
	[dreg:$0x7] =	wrdreg s31  }
0xc: {  	s24 =	simm.s32 $0x4;
	s30 =	sadd.s32 $0x9E00, s0;
	[dreg:$0x3] =	wrdreg s0  }
0xd: {  	s25 =	simm.s32 $0x5;
	s0 =	sadd.s32 $0x3AE00, s0;
	[dreg:$0x4] =	wrdreg s30  }
0xe: {  	v0 =	vlaneseq.u32;
	s1 =	simm.s32 $0x7;
	s3 =	simm.s32 $0x0;
	[dreg:$0x6] =	wrdreg s0  }
.LBB2_1:
0xf: {  	[dreg:$0x8] =	wrdreg s3  }
0x10: {  	s0 =	rddreg [dreg:$0x4]  }
0x11: {  	[tilespmem:s8], [sflag:$0x7] =	stream.linear.gather [hbm4b:s0+s8], $0x2710, $0x38;
	[tilespmem:$0x1B680] =	vst v63  }
0x12: {  	_ =	swait.ge [sflag:s1], $0x2710  }
0x13: {  	[sflag:s1] =	ssyncset.done $0x0  }
0x14: {  	s30 =	simm.s32 $0x2780;
	s28 =	rddreg [dreg:$0x3];
	[sflag:s1] =	ssyncadd.s32 $0xFFFFD8F0  }
0x15: {  	[tilespmem:s30], [sflag:$0x7] =	stream.linear.gather [hbm4b:s28+s8], $0x2710, $0x38;
	[tilespmem:$0x1B680] =	vst v63  }
0x16: {  	_ =	swait.ge [sflag:s1], $0x2710  }
0x17: {  	[sflag:s1] =	ssyncset.done $0x0  }
0x18: {  	s31 =	rddreg [dreg:$0x5];
	[sflag:s1] =	ssyncadd.s32 $0xFFFFD8F0  }
0x19: {  	[tilespmem:s13], [sflag:$0x3] =	stream.linear.gather [hbm4b:s31+s8], $0x5000, $0x38;
	[tilespmem:$0x1B680] =	vst v63  }
0x1a: {  	_ = 	snop  }
0x1b: {  	[tilespmem:s15], [sflag:$0x1] =	stream.indirect.gather [hbm4b:s5+s14], $0x80, s8, s14, $0xb8;
	[tilespmem:$0x1B680] =	vst v63  }
0x1c: {  	s29 =	simm.s32 $0x0  }
0x1d: {  	[tilespmem:s16], [sflag:$0x2] =	stream.indirect.gather [hbm4b:s5+s14], $0x80, s30, s14, $0xb8;
	[tilespmem:$0x1B680] =	vst v63  }
.LBB2_2:
0x1e: {  	s31 =	smul.u32 $0xA0, s29;
	_ =	sdelay $0x1  }
0x1f: {  	s30 =	sadd.s32 $0x50, s31  }
0x20: {  	s0 =	sadd.s32 s4, s30  }
0x21: {  	s0 =	sshll.u32 s0, $0x5  }
0x22: {  	s1 =	simm.s32 $0x0;
	s3 =	simm.s32 $0x16680;
	s0 =	sadd.s32 s2, s0  }
0x23: {  	[tilespmem:s3], [sflag:$0x6] =	stream.linear.gather [hbm4b:s0+s1], $0x5000, $0x38;
	[tilespmem:$0x1B680] =	vst v63  }
0x24: {  	s18 =	simm.s32 $0x11680  }
0x25: {  	[tilespmem:s18], [sflag:$0x4] =	stream.indirect.gather [hbm4b:s5+s14], $0x80, s30, s14, $0xb8;
	[tilespmem:$0x1B680] =	vst v63  }
0x26: {  	s26 =	sadd.s32 $0x27D0, s31  }
0x27: {  	[tilespmem:s19], [sflag:$0x5] =	stream.indirect.gather [hbm4b:s5+s14], $0x80, s26, s14, $0xb8;
	[tilespmem:$0x1B680] =	vst v63  }
0x28: {  	_ =	swait.ge [sflag:s20], $0x5000  }
0x29: {  	[sflag:s20] =	ssyncset.done $0x0  }
0x2a: {  	[sflag:s20] =	ssyncadd.s32 $0xFFFFB000  }
0x2b: {  	_ =	swait.ge [sflag:s21], $0x2800  }
0x2c: {  	[sflag:s21] =	ssyncset.done $0x0  }
0x2d: {  	[sflag:s21] =	ssyncadd.s32 $0xFFFFD800  }
0x2e: {  	s12 =	simm.s32 $0x0;
	_ =	swait.ge [sflag:s22], $0x2800  }
0x2f: {  	s7 =	simm.s32 $0x0;
	s28 =	sadd.s32 $0x4F00, s31;
	[sflag:s22] =	ssyncset.done $0x0  }
0x30: {  	v1 =	vmov s28;
	s0 =	simm.s32 $0x76C0;
	s26 =	simm.s32 $0x9EC0;
	[sflag:s22] =	ssyncadd.s32 $0xFFFFD800  }
.LBB2_3:
0x31: {  	v6 =	vld [tilespmem:s0+$0x30]  }
0x32: {  	v12 =	vld [tilespmem:s26+$0x30]  }
0x33: {  	v10 =	vld [tilespmem:s0+$0x20]  }
0x34: {  	v11 =	vld [tilespmem:s26+$0x20]  }
0x35: {  	v7 =	vld [tilespmem:s0+$0x10]  }
0x36: {  	v9 =	vld [tilespmem:s26+$0x10]  }
0x37: {  	v5 =	vld [tilespmem:s0+$0x0]  }
0x38: {  	v3 =	vld [tilespmem:s0+$0xFFFFFFF0]  }
0x39: {  	v4 =	vld [tilespmem:s26+$0xFFFFFFF0]  }
0x3a: {  	v2 =	vld [tilespmem:s0+$0xFFFFFFE0]  }
0x3b: {  	v8 =	vld [tilespmem:s26+$0xFFFFFFE0]  }
0x3c: {  	v13 =	vld [tilespmem:s0+$0xFFFFFFC0]  }
0x3d: {  	v14 =	vld [tilespmem:s26+$0xFFFFFFC0]  }
0x3e: {  	s3 =	sand.u32 $0x7800, s12;
	s6 =	sand.u32 $0x380, s1;
	v15 =	vld [tilespmem:s0+$0xFFFFFFD0]  }
0x3f: {  	v16 =	vld [tilespmem:s26+$0xFFFFFFD0];
	s3 =	sor.u32 s6, s3  }
0x40: {  	v17 =	vld [tilespmem:s3+$0xC6B0]  }
0x41: {  	v18 =	vld [tilespmem:s3+$0xC680]  }
0x42: {  	v19 =	vld [tilespmem:s3+$0xCA80]  }
0x43: {  	v20 =	vld [tilespmem:s3+$0xC690]  }
0x44: {  	v21 =	vld [tilespmem:s3+$0xCA90]  }
0x45: {  	v22 =	vld [tilespmem:s3+$0xC6A0]  }
0x46: {  	v23 =	vld [tilespmem:s3+$0xCAA0]  }
0x47: {  	v24 =	vld [tilespmem:s3+$0xCAB0]  }
0x48: {  	v25 =	vld [tilespmem:s26+$0x0];
	v13 =	vmul.f32 v18, v13;
	v14 =	vmul.f32 v19, v14  }
0x49: {  	v26 =	vld [tilespmem:s3+$0xC6C0];
	v15 =	vmul.f32 v20, v15;
	v16 =	vmul.f32 v21, v16  }
0x4a: {  	v27 =	vld [tilespmem:s3+$0xCAC0];
	v20 =	vmul.f32 v22, v2  }
0x4b: {  	v28 =	vld [tilespmem:s3+$0xC6D0];
	v8 =	vmul.f32 v23, v8;
	v13 =	vsub.f32 v13, v14;
	v14 =	vsub.f32 v15, v16  }
0x4c: {  	v29 =	vld [tilespmem:s3+$0xCAD0];
	v15 =	vmul.f32 v17, v3;
	v16 =	vmul.f32 v24, v4  }
0x4d: {  	v30 =	vld [tilespmem:s3+$0xC6E0];
	v8 =	vsub.f32 v20, v8;
	v13 =	vand.u32 $0x7FFFFFFF, v13;
	v14 =	vand.u32 $0x7FFFFFFF, v14  }
0x4e: {  	v18 =	vld [tilespmem:s3+$0xCAE0];
	v15 =	vsub.f32 v15, v16;
	v13 =	vadd.f32 v14, v13  }
0x4f: {  	v19 =	vld [tilespmem:s3+$0xC6F0];
	v17 =	vand.u32 $0x7FFFFFFF, v8;
	v16 =	vmul.f32 v27, v25;
	v14 =	vmul.f32 v26, v5  }
0x50: {  	s10 =	sadd.s32 $0x80, s0;
	v21 =	vld [tilespmem:s3+$0xCAF0];
	v15 =	vand.u32 $0x7FFFFFFF, v15;
	v13 =	vadd.f32 v17, v13  }
0x51: {  	s9 =	sadd.s32 $0x80, s26;
	v2 =	vld [tilespmem:s10+$0x30];
	v17 =	vmul.f32 v28, v7;
	v14 =	vsub.f32 v14, v16;
	v16 =	vmul.f32 v29, v9  }
0x52: {  	v3 =	vld [tilespmem:s9+$0x30];
	v13 =	vadd.f32 v15, v13;
	v15 =	vmul.f32 v30, v10  }
0x53: {  	s11 =	sadd.s32 $0x100, s12;
	s3 =	simm.s32 $0x80;
	v4 =	vld [tilespmem:s10+$0x20];
	v14 =	vand.u32 $0x7FFFFFFF, v14;
	v16 =	vsub.f32 v17, v16;
	v17 =	vmul.f32 v18, v11  }
0x54: {  	s18 =	sand.u32 $0x7800, s11;
	s8 =	sand.u32 $0x380, s3;
	v8 =	vld [tilespmem:s10+$0x10];
	v6 =	vmul.f32 v19, v6;
	v14 =	vadd.f32 v14, v13  }
0x55: {  	s17 =	sor.u32 s8, s18;
	v5 =	vld [tilespmem:s9+$0x20];
	v16 =	vand.u32 $0x7FFFFFFF, v16;
	v15 =	vsub.f32 v15, v17;
	v17 =	vmul.f32 v21, v12  }
0x56: {  	v19 =	vld [tilespmem:s17+$0xC680];
	v18 =	vadd.f32 v16, v14  }
0x57: {  	v7 =	vld [tilespmem:s9+$0x10];
	v15 =	vand.u32 $0x7FFFFFFF, v15;
	v6 =	vsub.f32 v6, v17  }
0x58: {  	v9 =	vld [tilespmem:s10+$0x0];
	v15 =	vadd.f32 v15, v18  }
0x59: {  	v10 =	vld [tilespmem:s10+$0xFFFFFFF0];
	v6 =	vand.u32 $0x7FFFFFFF, v6  }
0x5a: {  	v11 =	vld [tilespmem:s9+$0xFFFFFFF0];
	v20 =	vadd.f32 v6, v15  }
0x5b: {  	v13 =	vld [tilespmem:s10+$0xFFFFFFE0]  }
0x5c: {  	v12 =	vld [tilespmem:s9+$0xFFFFFFE0];
	(xrf2) =	vadd.scan.msk.f32 $0xffff, v20  }
0x5d: {  	v14 =	vld [tilespmem:s10+$0xFFFFFFC0]  }
0x5e: {  	v16 =	vld [tilespmem:s9+$0xFFFFFFC0]  }
0x5f: {  	v17 =	vld [tilespmem:s10+$0xFFFFFFD0]  }
0x60: {  	v18 =	vld [tilespmem:s9+$0xFFFFFFD0]  }
0x61: {  	v15 =	vld [tilespmem:s17+$0xC6B0]  }
0x62: {  	s28 =	simm.s32 $0x2;
	s6 =	simm.s32 $0x0;
	s8 =	simm.s32 $0x1;
	v6 =	vimm.f32 $0.0e+00;
	v20 =	vld [tilespmem:s17+$0xCA80]  }
.LBB2_4:
0x63: {  	p0 =	sne.s32 s28, $0xF;
	v21 =	vld [tilespmem:s17+$0xC690]  }
0x64: {  	v22 =	vld [tilespmem:s17+$0xCA90]  }
0x65: {  	v23 =	vld [tilespmem:s17+$0xC6A0]  }
0x66: {  	v24 =	vld [tilespmem:s17+$0xCAA0];
	v25, _, _ =	vpop (xrf2)  }
0x67: {  	v26 =	vld [tilespmem:s17+$0xCAB0];
	(v2sf) =	vpush v25, $0xF  }
0x68: {  	v14 =	vmul.f32 v19, v14;
	v16 =	vmul.f32 v20, v16;
	v19 =	vld [tilespmem:s9+$0x0]  }
0x69: {  	v17 =	vmul.f32 v21, v17;
	v18 =	vmul.f32 v22, v18;
	v20 =	vld [tilespmem:s17+$0xC6C0]  }
0x6a: {  	v13 =	vmul.f32 v23, v13;
	v21 =	vld [tilespmem:s17+$0xCAC0]  }
0x6b: {  	v14 =	vsub.f32 v14, v16;
	v16 =	vsub.f32 v17, v18;
	v12 =	vmul.f32 v24, v12;
	v17 =	vld [tilespmem:s17+$0xC6D0]  }
0x6c: {  	v10 =	vmul.f32 v15, v10;
	v11 =	vmul.f32 v26, v11;
	v15 =	vld [tilespmem:s17+$0xCAD0]  }
0x6d: {  	v14 =	vand.u32 $0x7FFFFFFF, v14;
	v16 =	vand.u32 $0x7FFFFFFF, v16;
	v12 =	vsub.f32 v13, v12;
	v13 =	vld [tilespmem:s17+$0xC6E0]  }
0x6e: {  	v14 =	vadd.f32 v16, v14;
	v9 =	vmul.f32 v20, v9;
	v16 =	vld [tilespmem:s17+$0xCAE0]  }
0x6f: {  	v10 =	vsub.f32 v10, v11;
	v12 =	vand.u32 $0x7FFFFFFF, v12;
	v11 =	vmul.f32 v21, v19;
	v18 =	vld [tilespmem:s17+$0xC6F0]  }
0x70: {  	s10 =	sadd.s32 $0x80, s10;
	v12 =	vadd.f32 v12, v14;
	v8 =	vmul.f32 v17, v8;
	v14 =	vld [tilespmem:s17+$0xCAF0]  }
0x71: {  	s9 =	sadd.s32 $0x80, s9;
	v10 =	vand.u32 $0x7FFFFFFF, v10;
	v17 =	vld [tilespmem:s10+$0x30];
	v9 =	vsub.f32 v9, v11;
	v7 =	vmul.f32 v15, v7  }
0x72: {  	v11 =	vld [tilespmem:s9+$0x30];
	v10 =	vadd.f32 v10, v12;
	v12 =	vmul.f32 v13, v4  }
0x73: {  	v4 =	vld [tilespmem:s10+$0x20];
	v9 =	vand.u32 $0x7FFFFFFF, v9;
	v7 =	vsub.f32 v8, v7;
	v13 =	vmul.f32 v16, v5  }
0x74: {  	v5 =	vld [tilespmem:s9+$0x20];
	v9 =	vadd.f32 v9, v10;
	v10 =	vmul.f32 v18, v2  }
0x75: {  	v8 =	vld [tilespmem:s10+$0x10];
	v15 =	vand.u32 $0x7FFFFFFF, v7;
	v12 =	vsub.f32 v12, v13;
	v16 =	vmul.f32 v14, v3  }
0x76: {  	v7 =	vld [tilespmem:s9+$0x10];
	v13 =	vadd.f32 v15, v9;
	s17 =	spop (v2sf);
	v2 =	vmov v17  }
0x77: {  	v15 =	vmov s6;
	s6 =	smov.u32 s8;
	s8 =	smov.u32 s28;
	v9 =	vld [tilespmem:s10+$0x0];
	v12 =	vand.u32 $0x7FFFFFFF, v12;
	v14 =	vsub.f32 v10, v16;
	s17 =	ssub.f32 $1.200000000e+01, s17;
	v3 =	vmovc v11  }
0x78: {  	vm0 =	veq.s32 v15, v0;
	v10 =	vld [tilespmem:s10+$0xFFFFFFF0];
	v12 =	vadd.f32 v12, v13  }
0x79: {  	v11 =	vld [tilespmem:s9+$0xFFFFFFF0];
	v14 =	vand.u32 $0x7FFFFFFF, v14;
	v6 =	vsel vm0, s17, v6  }
0x7a: {  	v13 =	vld [tilespmem:s10+$0xFFFFFFE0];
	v15 =	vadd.f32 v14, v12  }
0x7b: {  	v12 =	vld [tilespmem:s9+$0xFFFFFFE0]  }
0x7c: {  	v14 =	vld [tilespmem:s10+$0xFFFFFFC0];
	(xrf2) =	vadd.scan.msk.f32 $0xffff, v15  }
0x7d: {  	s3 =	sadd.s32 $0x80, s3;
	s11 =	sadd.s32 $0x100, s11;
	v16 =	vld [tilespmem:s9+$0xFFFFFFC0]  }
.Ltmp0:
0x7e: {  	s18 =	sand.u32 $0x380, s3;
	s17 =	sand.u32 $0x7800, s11;
	v17 =	vld [tilespmem:s10+$0xFFFFFFD0];
	(pc) =	sbr.rel @p0 .LBB2_4-.Ltmp0, $4  }
0x7f: {  	s17 =	sor.u32 s18, s17;
	v18 =	vld [tilespmem:s9+$0xFFFFFFD0]  }
0x80: {  	v15 =	vld [tilespmem:s17+$0xC6B0]  }
0x81: {  	v19 =	vld [tilespmem:s17+$0xC680]  }
0x82: {  	s28 =	sadd.s32 $0x1, s28;
	v20 =	vld [tilespmem:s17+$0xCA80]  }
0x83: {  	v21 =	vld [tilespmem:s17+$0xC690]  }
0x84: {  	v22 =	vld [tilespmem:s17+$0xCA90]  }
0x85: {  	v23 =	vld [tilespmem:s17+$0xC6A0]  }
0x86: {  	v24 =	vld [tilespmem:s17+$0xCAA0]  }
0x87: {  	v25 =	vld [tilespmem:s17+$0xCAB0]  }
0x88: {  	v51 =	vld [tilespmem:s9+$0x0];
	v14 =	vmul.f32 v19, v14;
	v16 =	vmul.f32 v20, v16  }
0x89: {  	v52 =	vld [tilespmem:s17+$0xC6C0];
	v17 =	vmul.f32 v21, v17;
	v18 =	vmul.f32 v22, v18  }
0x8a: {  	v53 =	vld [tilespmem:s17+$0xCAC0];
	v13 =	vmul.f32 v23, v13  }
0x8b: {  	v55 =	vld [tilespmem:s17+$0xC6D0];
	v12 =	vmul.f32 v24, v12;
	v14 =	vsub.f32 v14, v16;
	v54 =	vsub.f32 v17, v18  }
0x8c: {  	v56 =	vld [tilespmem:s17+$0xCAD0];
	v10 =	vmul.f32 v15, v10;
	v11 =	vmul.f32 v25, v11  }
0x8d: {  	v57 =	vld [tilespmem:s17+$0xC6E0];
	v12 =	vsub.f32 v13, v12;
	v14 =	vand.u32 $0x7FFFFFFF, v14;
	v16 =	vand.u32 $0x7FFFFFFF, v54  }
0x8e: {  	v58 =	vld [tilespmem:s17+$0xCAE0];
	v9 =	vmul.f32 v52, v9;
	v14 =	vadd.f32 v16, v14  }
0x8f: {  	v60 =	vld [tilespmem:s17+$0xC6F0];
	v59 =	vmul.f32 v53, v51;
	v10 =	vsub.f32 v10, v11;
	v12 =	vand.u32 $0x7FFFFFFF, v12  }
0x90: {  	v61 =	vld [tilespmem:s17+$0xCAF0];
	v8 =	vmul.f32 v55, v8;
	v12 =	vadd.f32 v12, v14  }
0x91: {  	v7 =	vmul.f32 v56, v7;
	v9 =	vsub.f32 v9, v59;
	v10 =	vand.u32 $0x7FFFFFFF, v10  }
0x92: {  	v4 =	vmul.f32 v57, v4;
	v10 =	vadd.f32 v10, v12  }
0x93: {  	v5 =	vmul.f32 v58, v5;
	v7 =	vsub.f32 v8, v7;
	v9 =	vand.u32 $0x7FFFFFFF, v9  }
0x94: {  	v2 =	vmul.f32 v60, v2;
	v62 =	vadd.f32 v9, v10  }
0x95: {  	v3 =	vmul.f32 v61, v3;
	v4 =	vsub.f32 v4, v5;
	v7 =	vand.u32 $0x7FFFFFFF, v7  }
0x96: {  	v63 =	vadd.f32 v7, v62  }
0x97: {  	v2 =	vsub.f32 v2, v3;
	v4 =	vand.u32 $0x7FFFFFFF, v4  }
0x98: {  	v3 =	vadd.f32 v4, v63  }
0x99: {  	v2 =	vand.u32 $0x7FFFFFFF, v2  }
0x9a: {  	v2 =	vadd.f32 v2, v3;
	_ =	sdelay $0x1  }
0x9b: {  	(xrf2) =	vadd.scan.msk.f32 $0xffff, v2;
	_ =	sdelay $0x7  }
0x9c: {  	v2, _, _ =	vpop (xrf2)  }
0x9d: {  	(v2sf) =	vpush v2, $0xF  }
0x9e: {  	v2, _, _ =	vpop (xrf2)  }
0x9f: {  	(v2sf) =	vpush v2, $0xF;
	_ =	sdelay $0xc  }
0xa0: {  	s18 =	sshll.u32 s7, $0x4;
	s7 =	sadd.s32 $0x1, s7;
	s3 =	spop (v2sf)  }
0xa1: {  	p0 =	sne.s32 s7, $0x5;
	s3 =	ssub.f32 $1.200000000e+01, s3  }
.Ltmp1:
0xa2: {  	v2 =	vmov s6;
	s17 =	spop (v2sf);
	(pc) =	sbr.rel @p0 .LBB2_3-.Ltmp1, $4  }
0xa3: {  	vm0 =	veq.s32 v2, v0;
	v2 =	vmov s8;
	s6 =	ssub.f32 $1.200000000e+01, s17  }
0xa4: {  	vm15 =	veq.s32 v2, v0;
	v3 =	vsel vm0, s3, v6  }
0xa5: {  	s28 =	sand.u32 $0x3FFFFFF0, s18;
	v2 =	vsel vm15, s6, v3  }
0xa6: {  	s12 =	sadd.s32 $0x1000, s12;
	s0 =	sadd.s32 $0x800, s0;
	s26 =	sadd.s32 $0x800, s26;
	[tilespmem:v1+s28+$0x0 ss:$0x1] =	vst.idx.msk $0xffff, v2  }
0xa7: {  	s0 =	sadd.s32 $0xA0, s31  }
0xa8: {  	s1 =	sadd.s32 s4, s0  }
0xa9: {  	s1 =	sshll.u32 s1, $0x5  }
0xaa: {  	s3 =	sadd.s32 s2, s1;
	s1 =	simm.s32 $0x0  }
0xab: {  	[tilespmem:s13], [sflag:$0x3] =	stream.linear.gather [hbm4b:s3+s1], $0x5000, $0x38;
	[tilespmem:$0x1B680] =	vst v63  }
0xac: {  	_ = 	snop  }
0xad: {  	[tilespmem:s15], [sflag:$0x1] =	stream.indirect.gather [hbm4b:s5+s14], $0x80, s0, s14, $0xb8;
	[tilespmem:$0x1B680] =	vst v63  }
0xae: {  	s26 =	sadd.s32 $0x2820, s31  }
0xaf: {  	[tilespmem:s16], [sflag:$0x2] =	stream.indirect.gather [hbm4b:s5+s14], $0x80, s26, s14, $0xb8;
	[tilespmem:$0x1B680] =	vst v63  }
0xb0: {  	_ =	swait.ge [sflag:s23], $0x5000  }
0xb1: {  	[sflag:s23] =	ssyncset.done $0x0  }
0xb2: {  	[sflag:s23] =	ssyncadd.s32 $0xFFFFB000  }
0xb3: {  	_ =	swait.ge [sflag:s24], $0x2800  }
0xb4: {  	[sflag:s24] =	ssyncset.done $0x0  }
0xb5: {  	[sflag:s24] =	ssyncadd.s32 $0xFFFFD800  }
0xb6: {  	s28 =	sadd.s32 $0x4F00, s30;
	_ =	swait.ge [sflag:s25], $0x2800  }
0xb7: {  	s30 =	simm.s32 $0x116C0;
	s31 =	simm.s32 $0x13EC0;
	[sflag:s25] =	ssyncset.done $0x0  }
0xb8: {  	v1 =	vmov s28;
	s0 =	simm.s32 $0x0;
	s26 =	simm.s32 $0x0;
	[sflag:s25] =	ssyncadd.s32 $0xFFFFD800  }
.LBB2_7:
0xb9: {  	v6 =	vld [tilespmem:s30+$0x30]  }
0xba: {  	v12 =	vld [tilespmem:s31+$0x30]  }
0xbb: {  	v9 =	vld [tilespmem:s30+$0x20]  }
0xbc: {  	v10 =	vld [tilespmem:s31+$0x20]  }
0xbd: {  	v7 =	vld [tilespmem:s30+$0x10]  }
0xbe: {  	v11 =	vld [tilespmem:s31+$0x10]  }
0xbf: {  	v4 =	vld [tilespmem:s30+$0x0]  }
0xc0: {  	v2 =	vld [tilespmem:s30+$0xFFFFFFF0]  }
0xc1: {  	v3 =	vld [tilespmem:s31+$0xFFFFFFF0]  }
0xc2: {  	v5 =	vld [tilespmem:s30+$0xFFFFFFE0]  }
0xc3: {  	v8 =	vld [tilespmem:s31+$0xFFFFFFE0]  }
0xc4: {  	v13 =	vld [tilespmem:s30+$0xFFFFFFC0]  }
0xc5: {  	v14 =	vld [tilespmem:s31+$0xFFFFFFC0]  }
0xc6: {  	s3 =	sand.u32 $0x7800, s0;
	s6 =	sand.u32 $0x380, s1;
	v15 =	vld [tilespmem:s30+$0xFFFFFFD0]  }
0xc7: {  	v16 =	vld [tilespmem:s31+$0xFFFFFFD0];
	s3 =	sor.u32 s6, s3  }
0xc8: {  	s6 =	sadd.s32 $0x16680, s3;
	v17 =	vld [tilespmem:s3+$0x16680]  }
0xc9: {  	v18 =	vld [tilespmem:s6+$0x30]  }
0xca: {  	v19 =	vld [tilespmem:s6+$0x400]  }
0xcb: {  	v20 =	vld [tilespmem:s6+$0x10]  }
0xcc: {  	v21 =	vld [tilespmem:s6+$0x410]  }
0xcd: {  	v22 =	vld [tilespmem:s6+$0x20]  }
0xce: {  	v23 =	vld [tilespmem:s6+$0x420]  }
0xcf: {  	v24 =	vld [tilespmem:s6+$0x430]  }
0xd0: {  	v25 =	vld [tilespmem:s31+$0x0];
	v13 =	vmul.f32 v17, v13;
	v14 =	vmul.f32 v19, v14  }
0xd1: {  	v26 =	vld [tilespmem:s6+$0x40];
	v15 =	vmul.f32 v20, v15;
	v16 =	vmul.f32 v21, v16  }
0xd2: {  	v27 =	vld [tilespmem:s6+$0x440];
	v5 =	vmul.f32 v22, v5  }
0xd3: {  	v28 =	vld [tilespmem:s6+$0x50];
	v8 =	vmul.f32 v23, v8;
	v13 =	vsub.f32 v13, v14;
	v14 =	vsub.f32 v15, v16  }
0xd4: {  	v29 =	vld [tilespmem:s6+$0x450];
	v16 =	vmul.f32 v18, v2;
	v18 =	vmul.f32 v24, v3  }
0xd5: {  	v19 =	vld [tilespmem:s6+$0x460];
	v5 =	vsub.f32 v5, v8;
	v13 =	vand.u32 $0x7FFFFFFF, v13;
	v14 =	vand.u32 $0x7FFFFFFF, v14  }
0xd6: {  	v17 =	vld [tilespmem:s6+$0x60];
	v16 =	vsub.f32 v16, v18;
	v8 =	vadd.f32 v14, v13  }
0xd7: {  	v20 =	vld [tilespmem:s6+$0x70];
	v18 =	vmul.f32 v27, v25;
	v13 =	vmul.f32 v26, v4;
	v14 =	vand.u32 $0x7FFFFFFF, v5  }
0xd8: {  	s8 =	sadd.s32 $0x80, s31;
	v63 =	vmul.f32 v28, v7;
	v15 =	vld [tilespmem:s6+$0x470];
	v14 =	vadd.f32 v14, v8  }
0xd9: {  	s10 =	sadd.s32 $0x80, s30;
	v11 =	vmul.f32 v29, v11;
	v7 =	vld [tilespmem:s8+$0x10];
	v16 =	vand.u32 $0x7FFFFFFF, v16;
	v13 =	vsub.f32 v13, v18  }
0xda: {  	v2 =	vld [tilespmem:s10+$0x30];
	v18 =	vmul.f32 v19, v10;
	v14 =	vadd.f32 v16, v14  }
0xdb: {  	v3 =	vld [tilespmem:s8+$0x30];
	v16 =	vmul.f32 v17, v9;
	v13 =	vand.u32 $0x7FFFFFFF, v13;
	v17 =	vsub.f32 v63, v11  }
0xdc: {  	v4 =	vld [tilespmem:s10+$0x20];
	v6 =	vmul.f32 v20, v6;
	v14 =	vadd.f32 v13, v14  }
0xdd: {  	v5 =	vld [tilespmem:s8+$0x20];
	v15 =	vmul.f32 v15, v12;
	v17 =	vand.u32 $0x7FFFFFFF, v17;
	v16 =	vsub.f32 v16, v18  }
0xde: {  	s3 =	simm.s32 $0x80;
	s6 =	sadd.s32 $0x100, s0;
	v8 =	vld [tilespmem:s10+$0x10];
	v17 =	vadd.f32 v17, v14  }
0xdf: {  	s9 =	sand.u32 $0x380, s3;
	s7 =	sand.u32 $0x7800, s6;
	v10 =	vld [tilespmem:s10+$0xFFFFFFF0];
	v6 =	vsub.f32 v6, v15;
	v16 =	vand.u32 $0x7FFFFFFF, v16  }
0xe0: {  	s7 =	sor.u32 s9, s7;
	v12 =	vld [tilespmem:s8+$0xFFFFFFE0];
	v16 =	vadd.f32 v16, v17  }
0xe1: {  	v19 =	vld [tilespmem:s7+$0x16680];
	v6 =	vand.u32 $0x7FFFFFFF, v6  }
0xe2: {  	v9 =	vld [tilespmem:s10+$0x0];
	v16 =	vadd.f32 v6, v16  }
0xe3: {  	v11 =	vld [tilespmem:s8+$0xFFFFFFF0]  }
0xe4: {  	v15 =	vld [tilespmem:s8+$0xFFFFFFC0];
	(xrf2) =	vadd.scan.msk.f32 $0xffff, v16  }
0xe5: {  	v13 =	vld [tilespmem:s10+$0xFFFFFFE0]  }
0xe6: {  	v18 =	vld [tilespmem:s8+$0xFFFFFFD0]  }
0xe7: {  	v14 =	vld [tilespmem:s10+$0xFFFFFFC0]  }
0xe8: {  	s12 =	sadd.s32 $0x16680, s7;
	v17 =	vld [tilespmem:s10+$0xFFFFFFD0]  }
0xe9: {  	s11 =	simm.s32 $0x2;
	s9 =	simm.s32 $0x0;
	s7 =	simm.s32 $0x1;
	v6 =	vimm.f32 $0.0e+00;
	v16 =	vld [tilespmem:s12+$0x30]  }
.LBB2_8:
0xea: {  	p0 =	sne.s32 s11, $0xF;
	v20 =	vld [tilespmem:s12+$0x400]  }
0xeb: {  	v21 =	vld [tilespmem:s12+$0x10]  }
0xec: {  	v22 =	vld [tilespmem:s12+$0x410]  }
0xed: {  	v23 =	vld [tilespmem:s12+$0x20]  }
0xee: {  	v24 =	vld [tilespmem:s12+$0x420];
	v25, _, _ =	vpop (xrf2)  }
0xef: {  	v26 =	vld [tilespmem:s12+$0x430];
	(v2sf) =	vpush v25, $0xF  }
0xf0: {  	v14 =	vmul.f32 v19, v14;
	v15 =	vmul.f32 v20, v15;
	v19 =	vld [tilespmem:s8+$0x0]  }
0xf1: {  	v17 =	vmul.f32 v21, v17;
	v18 =	vmul.f32 v22, v18;
	v20 =	vld [tilespmem:s12+$0x40]  }
0xf2: {  	v13 =	vmul.f32 v23, v13;
	v21 =	vld [tilespmem:s12+$0x440]  }
0xf3: {  	v14 =	vsub.f32 v14, v15;
	v15 =	vsub.f32 v17, v18;
	v12 =	vmul.f32 v24, v12;
	v17 =	vld [tilespmem:s12+$0x50]  }
0xf4: {  	v10 =	vmul.f32 v16, v10;
	v11 =	vmul.f32 v26, v11;
	v16 =	vld [tilespmem:s12+$0x450]  }
0xf5: {  	v14 =	vand.u32 $0x7FFFFFFF, v14;
	v15 =	vand.u32 $0x7FFFFFFF, v15;
	v12 =	vsub.f32 v13, v12;
	v13 =	vld [tilespmem:s12+$0x60]  }
0xf6: {  	v14 =	vadd.f32 v15, v14;
	v9 =	vmul.f32 v20, v9;
	v15 =	vld [tilespmem:s12+$0x460]  }
0xf7: {  	v10 =	vsub.f32 v10, v11;
	v12 =	vand.u32 $0x7FFFFFFF, v12;
	v11 =	vmul.f32 v21, v19;
	v18 =	vld [tilespmem:s12+$0x70]  }
0xf8: {  	s10 =	sadd.s32 $0x80, s10;
	v12 =	vadd.f32 v12, v14;
	v8 =	vmul.f32 v17, v8;
	v14 =	vld [tilespmem:s12+$0x470]  }
0xf9: {  	s8 =	sadd.s32 $0x80, s8;
	v10 =	vand.u32 $0x7FFFFFFF, v10;
	v17 =	vld [tilespmem:s10+$0x30];
	v9 =	vsub.f32 v9, v11;
	v7 =	vmul.f32 v16, v7  }
0xfa: {  	v11 =	vld [tilespmem:s8+$0x30];
	v10 =	vadd.f32 v10, v12;
	v12 =	vmul.f32 v13, v4  }
0xfb: {  	v4 =	vld [tilespmem:s10+$0x20];
	v9 =	vand.u32 $0x7FFFFFFF, v9;
	v7 =	vsub.f32 v8, v7;
	v13 =	vmul.f32 v15, v5  }
0xfc: {  	v5 =	vld [tilespmem:s8+$0x20];
	v9 =	vadd.f32 v9, v10;
	v10 =	vmul.f32 v18, v2  }
0xfd: {  	v8 =	vld [tilespmem:s10+$0x10];
	v15 =	vand.u32 $0x7FFFFFFF, v7;
	v12 =	vsub.f32 v12, v13;
	v16 =	vmul.f32 v14, v3  }
0xfe: {  	v7 =	vld [tilespmem:s8+$0x10];
	v13 =	vadd.f32 v15, v9;
	s12 =	spop (v2sf);
	v2 =	vmov v17  }
0xff: {  	v15 =	vmov s9;
	s9 =	smov.u32 s7;
	s7 =	smov.u32 s11;
	v9 =	vld [tilespmem:s10+$0x0];
	v12 =	vand.u32 $0x7FFFFFFF, v12;
	v14 =	vsub.f32 v10, v16;
	s12 =	ssub.f32 $1.200000000e+01, s12;
	v3 =	vmovc v11  }
0x100: {  	vm0 =	veq.s32 v15, v0;
	v10 =	vld [tilespmem:s10+$0xFFFFFFF0];
	v12 =	vadd.f32 v12, v13  }
0x101: {  	v11 =	vld [tilespmem:s8+$0xFFFFFFF0];
	v14 =	vand.u32 $0x7FFFFFFF, v14;
	v6 =	vsel vm0, s12, v6  }
0x102: {  	v13 =	vld [tilespmem:s10+$0xFFFFFFE0];
	v15 =	vadd.f32 v14, v12  }
0x103: {  	v12 =	vld [tilespmem:s8+$0xFFFFFFE0]  }
0x104: {  	v14 =	vld [tilespmem:s10+$0xFFFFFFC0];
	(xrf2) =	vadd.scan.msk.f32 $0xffff, v15  }
.Ltmp2:
0x105: {  	s3 =	sadd.s32 $0x80, s3;
	s6 =	sadd.s32 $0x100, s6;
	v15 =	vld [tilespmem:s8+$0xFFFFFFC0];
	(pc) =	sbr.rel @p0 .LBB2_8-.Ltmp2, $4  }
0x106: {  	s17 =	sand.u32 $0x380, s3;
	s12 =	sand.u32 $0x7800, s6;
	v17 =	vld [tilespmem:s10+$0xFFFFFFD0]  }
0x107: {  	s17 =	sor.u32 s17, s12;
	v18 =	vld [tilespmem:s8+$0xFFFFFFD0]  }
0x108: {  	s12 =	sadd.s32 $0x16680, s17;
	v19 =	vld [tilespmem:s17+$0x16680]  }
0x109: {  	s11 =	sadd.s32 $0x1, s11;
	v16 =	vld [tilespmem:s12+$0x30]  }
0x10a: {  	v20 =	vld [tilespmem:s12+$0x400]  }
0x10b: {  	v21 =	vld [tilespmem:s12+$0x10]  }
0x10c: {  	v22 =	vld [tilespmem:s12+$0x410]  }
0x10d: {  	v23 =	vld [tilespmem:s12+$0x20]  }
0x10e: {  	v24 =	vld [tilespmem:s12+$0x420]  }
0x10f: {  	v25 =	vld [tilespmem:s12+$0x430]  }
0x110: {  	v51 =	vld [tilespmem:s8+$0x0];
	v14 =	vmul.f32 v19, v14;
	v15 =	vmul.f32 v20, v15  }
0x111: {  	v52 =	vld [tilespmem:s12+$0x40];
	v17 =	vmul.f32 v21, v17;
	v18 =	vmul.f32 v22, v18  }
0x112: {  	v53 =	vld [tilespmem:s12+$0x440];
	v13 =	vmul.f32 v23, v13  }
0x113: {  	v55 =	vld [tilespmem:s12+$0x50];
	v12 =	vmul.f32 v24, v12;
	v14 =	vsub.f32 v14, v15;
	v54 =	vsub.f32 v17, v18  }
0x114: {  	v56 =	vld [tilespmem:s12+$0x450];
	v10 =	vmul.f32 v16, v10;
	v11 =	vmul.f32 v25, v11  }
0x115: {  	v57 =	vld [tilespmem:s12+$0x60];
	v12 =	vsub.f32 v13, v12;
	v14 =	vand.u32 $0x7FFFFFFF, v14;
	v15 =	vand.u32 $0x7FFFFFFF, v54  }
0x116: {  	v58 =	vld [tilespmem:s12+$0x460];
	v9 =	vmul.f32 v52, v9;
	v14 =	vadd.f32 v15, v14  }
0x117: {  	v60 =	vld [tilespmem:s12+$0x70];
	v59 =	vmul.f32 v53, v51;
	v10 =	vsub.f32 v10, v11;
	v12 =	vand.u32 $0x7FFFFFFF, v12  }
0x118: {  	v61 =	vld [tilespmem:s12+$0x470];
	v8 =	vmul.f32 v55, v8;
	v12 =	vadd.f32 v12, v14  }
0x119: {  	v7 =	vmul.f32 v56, v7;
	v9 =	vsub.f32 v9, v59;
	v10 =	vand.u32 $0x7FFFFFFF, v10  }
0x11a: {  	v4 =	vmul.f32 v57, v4;
	v10 =	vadd.f32 v10, v12  }
0x11b: {  	v5 =	vmul.f32 v58, v5;
	v7 =	vsub.f32 v8, v7;
	v9 =	vand.u32 $0x7FFFFFFF, v9  }
0x11c: {  	v2 =	vmul.f32 v60, v2;
	v62 =	vadd.f32 v9, v10  }
0x11d: {  	v3 =	vmul.f32 v61, v3;
	v4 =	vsub.f32 v4, v5;
	v7 =	vand.u32 $0x7FFFFFFF, v7  }
0x11e: {  	v63 =	vadd.f32 v7, v62  }
0x11f: {  	v2 =	vsub.f32 v2, v3;
	v4 =	vand.u32 $0x7FFFFFFF, v4  }
0x120: {  	v3 =	vadd.f32 v4, v63  }
0x121: {  	v2 =	vand.u32 $0x7FFFFFFF, v2  }
0x122: {  	v2 =	vadd.f32 v2, v3;
	_ =	sdelay $0x1  }
0x123: {  	(xrf2) =	vadd.scan.msk.f32 $0xffff, v2;
	_ =	sdelay $0x7  }
0x124: {  	v2, _, _ =	vpop (xrf2)  }
0x125: {  	(v2sf) =	vpush v2, $0xF  }
0x126: {  	v2, _, _ =	vpop (xrf2)  }
0x127: {  	(v2sf) =	vpush v2, $0xF;
	_ =	sdelay $0xc  }
0x128: {  	s18 =	sshll.u32 s26, $0x4;
	s26 =	sadd.s32 $0x1, s26;
	s3 =	spop (v2sf)  }
0x129: {  	p0 =	sne.s32 s26, $0x5;
	s3 =	ssub.f32 $1.200000000e+01, s3  }
.Ltmp3:
0x12a: {  	v2 =	vmov s9;
	s6 =	spop (v2sf);
	(pc) =	sbr.rel @p0 .LBB2_7-.Ltmp3, $4  }
0x12b: {  	vm0 =	veq.s32 v2, v0;
	v2 =	vmov s7;
	s6 =	ssub.f32 $1.200000000e+01, s6  }
0x12c: {  	vm15 =	veq.s32 v2, v0;
	v3 =	vsel vm0, s3, v6  }
0x12d: {  	s28 =	sand.u32 $0x3FFFFFF0, s18;
	v2 =	vsel vm15, s6, v3  }
0x12e: {  	s0 =	sadd.s32 $0x1000, s0;
	s30 =	sadd.s32 $0x800, s30;
	s31 =	sadd.s32 $0x800, s31;
	[tilespmem:v1+s28+$0x0 ss:$0x1] =	vst.idx.msk $0xffff, v2  }
0x12f: {  	s29 =	sadd.s32 $0x1, s29  }
0x130: {  	p0 =	sne.s32 s29, $0x3E  }
.Ltmp4:
0x131: {  	_ = 	snop;
	(pc) =	sbr.rel @p0 .LBB2_2-.Ltmp4, $1  }
0x132: {  	_ =	sdelay $0x3  }
0x133: {  	_ =	swait.ge [sflag:s20], $0x5000  }
0x134: {  	[sflag:s20] =	ssyncset.done $0x0  }
0x135: {  	[sflag:s20] =	ssyncadd.s32 $0xFFFFB000  }
0x136: {  	_ =	swait.ge [sflag:s21], $0x2800  }
0x137: {  	[sflag:s21] =	ssyncset.done $0x0  }
0x138: {  	[sflag:s21] =	ssyncadd.s32 $0xFFFFD800  }
0x139: {  	s1 =	simm.s32 $0x0;
	_ =	swait.ge [sflag:s22], $0x2800  }
0x13a: {  	s0 =	simm.s32 $0x76C0;
	s26 =	simm.s32 $0x9EC0;
	[sflag:s22] =	ssyncset.done $0x0  }
0x13b: {  	s12 =	simm.s32 $0x0;
	s7 =	simm.s32 $0x0;
	[sflag:s22] =	ssyncadd.s32 $0xFFFFD800  }
.LBB2_12:
0x13c: {  	v5 =	vld [tilespmem:s0+$0x30]  }
0x13d: {  	v11 =	vld [tilespmem:s26+$0x30]  }
0x13e: {  	v9 =	vld [tilespmem:s0+$0x20]  }
0x13f: {  	v10 =	vld [tilespmem:s26+$0x20]  }
0x140: {  	v6 =	vld [tilespmem:s0+$0x10]  }
0x141: {  	v8 =	vld [tilespmem:s26+$0x10]  }
0x142: {  	v4 =	vld [tilespmem:s0+$0x0]  }
0x143: {  	v2 =	vld [tilespmem:s0+$0xFFFFFFF0]  }
0x144: {  	v3 =	vld [tilespmem:s26+$0xFFFFFFF0]  }
0x145: {  	v1 =	vld [tilespmem:s0+$0xFFFFFFE0]  }
0x146: {  	v7 =	vld [tilespmem:s26+$0xFFFFFFE0]  }
0x147: {  	v12 =	vld [tilespmem:s0+$0xFFFFFFC0]  }
0x148: {  	v13 =	vld [tilespmem:s26+$0xFFFFFFC0]  }
0x149: {  	s3 =	sand.u32 $0x7800, s12;
	s6 =	sand.u32 $0x380, s1;
	v14 =	vld [tilespmem:s0+$0xFFFFFFD0]  }
0x14a: {  	v15 =	vld [tilespmem:s26+$0xFFFFFFD0];
	s3 =	sor.u32 s6, s3  }
0x14b: {  	v16 =	vld [tilespmem:s3+$0xC6B0]  }
0x14c: {  	v17 =	vld [tilespmem:s3+$0xC680]  }
0x14d: {  	v18 =	vld [tilespmem:s3+$0xCA80]  }
0x14e: {  	v19 =	vld [tilespmem:s3+$0xC690]  }
0x14f: {  	v20 =	vld [tilespmem:s3+$0xCA90]  }
0x150: {  	v21 =	vld [tilespmem:s3+$0xC6A0]  }
0x151: {  	v22 =	vld [tilespmem:s3+$0xCAA0]  }
0x152: {  	v23 =	vld [tilespmem:s3+$0xCAB0]  }
0x153: {  	v24 =	vld [tilespmem:s26+$0x0];
	v12 =	vmul.f32 v17, v12;
	v13 =	vmul.f32 v18, v13  }
0x154: {  	v25 =	vld [tilespmem:s3+$0xC6C0];
	v14 =	vmul.f32 v19, v14;
	v15 =	vmul.f32 v20, v15  }
0x155: {  	v26 =	vld [tilespmem:s3+$0xCAC0];
	v19 =	vmul.f32 v21, v1  }
0x156: {  	v27 =	vld [tilespmem:s3+$0xC6D0];
	v7 =	vmul.f32 v22, v7;
	v12 =	vsub.f32 v12, v13;
	v13 =	vsub.f32 v14, v15  }
0x157: {  	v28 =	vld [tilespmem:s3+$0xCAD0];
	v14 =	vmul.f32 v16, v2;
	v15 =	vmul.f32 v23, v3  }
0x158: {  	v29 =	vld [tilespmem:s3+$0xC6E0];
	v7 =	vsub.f32 v19, v7;
	v12 =	vand.u32 $0x7FFFFFFF, v12;
	v13 =	vand.u32 $0x7FFFFFFF, v13  }
0x159: {  	v17 =	vld [tilespmem:s3+$0xCAE0];
	v14 =	vsub.f32 v14, v15;
	v12 =	vadd.f32 v13, v12  }
0x15a: {  	v18 =	vld [tilespmem:s3+$0xC6F0];
	v16 =	vand.u32 $0x7FFFFFFF, v7;
	v15 =	vmul.f32 v26, v24;
	v13 =	vmul.f32 v25, v4  }
0x15b: {  	s10 =	sadd.s32 $0x80, s0;
	v20 =	vld [tilespmem:s3+$0xCAF0];
	v14 =	vand.u32 $0x7FFFFFFF, v14;
	v12 =	vadd.f32 v16, v12  }
0x15c: {  	s9 =	sadd.s32 $0x80, s26;
	v1 =	vld [tilespmem:s10+$0x30];
	v16 =	vmul.f32 v27, v6;
	v13 =	vsub.f32 v13, v15;
	v15 =	vmul.f32 v28, v8  }
0x15d: {  	v2 =	vld [tilespmem:s9+$0x30];
	v12 =	vadd.f32 v14, v12;
	v14 =	vmul.f32 v29, v9  }
0x15e: {  	s11 =	sadd.s32 $0x100, s12;
	s3 =	simm.s32 $0x80;
	v3 =	vld [tilespmem:s10+$0x20];
	v13 =	vand.u32 $0x7FFFFFFF, v13;
	v15 =	vsub.f32 v16, v15;
	v16 =	vmul.f32 v17, v10  }
0x15f: {  	s31 =	sand.u32 $0x7800, s11;
	s8 =	sand.u32 $0x380, s3;
	v7 =	vld [tilespmem:s10+$0x10];
	v5 =	vmul.f32 v18, v5;
	v13 =	vadd.f32 v13, v12  }
0x160: {  	s17 =	sor.u32 s8, s31;
	v4 =	vld [tilespmem:s9+$0x20];
	v15 =	vand.u32 $0x7FFFFFFF, v15;
	v14 =	vsub.f32 v14, v16;
	v16 =	vmul.f32 v20, v11  }
0x161: {  	v18 =	vld [tilespmem:s17+$0xC680];
	v17 =	vadd.f32 v15, v13  }
0x162: {  	v6 =	vld [tilespmem:s9+$0x10];
	v14 =	vand.u32 $0x7FFFFFFF, v14;
	v5 =	vsub.f32 v5, v16  }
0x163: {  	v8 =	vld [tilespmem:s10+$0x0];
	v14 =	vadd.f32 v14, v17  }
0x164: {  	v9 =	vld [tilespmem:s10+$0xFFFFFFF0];
	v5 =	vand.u32 $0x7FFFFFFF, v5  }
0x165: {  	v10 =	vld [tilespmem:s9+$0xFFFFFFF0];
	v19 =	vadd.f32 v5, v14  }
0x166: {  	v12 =	vld [tilespmem:s10+$0xFFFFFFE0]  }
0x167: {  	v11 =	vld [tilespmem:s9+$0xFFFFFFE0];
	(xrf2) =	vadd.scan.msk.f32 $0xffff, v19  }
0x168: {  	v13 =	vld [tilespmem:s10+$0xFFFFFFC0]  }
0x169: {  	v15 =	vld [tilespmem:s9+$0xFFFFFFC0]  }
0x16a: {  	v16 =	vld [tilespmem:s10+$0xFFFFFFD0]  }
0x16b: {  	v17 =	vld [tilespmem:s9+$0xFFFFFFD0]  }
0x16c: {  	v14 =	vld [tilespmem:s17+$0xC6B0]  }
0x16d: {  	s28 =	simm.s32 $0x2;
	s6 =	simm.s32 $0x0;
	s8 =	simm.s32 $0x1;
	v5 =	vimm.f32 $0.0e+00;
	v19 =	vld [tilespmem:s17+$0xCA80]  }
.LBB2_13:
0x16e: {  	p0 =	sne.s32 s28, $0xF;
	v20 =	vld [tilespmem:s17+$0xC690]  }
0x16f: {  	v21 =	vld [tilespmem:s17+$0xCA90]  }
0x170: {  	v22 =	vld [tilespmem:s17+$0xC6A0]  }
0x171: {  	v23 =	vld [tilespmem:s17+$0xCAA0];
	v24, _, _ =	vpop (xrf2)  }
0x172: {  	v25 =	vld [tilespmem:s17+$0xCAB0];
	(v2sf) =	vpush v24, $0xF  }
0x173: {  	v13 =	vmul.f32 v18, v13;
	v15 =	vmul.f32 v19, v15;
	v18 =	vld [tilespmem:s9+$0x0]  }
0x174: {  	v16 =	vmul.f32 v20, v16;
	v17 =	vmul.f32 v21, v17;
	v19 =	vld [tilespmem:s17+$0xC6C0]  }
0x175: {  	v12 =	vmul.f32 v22, v12;
	v20 =	vld [tilespmem:s17+$0xCAC0]  }
0x176: {  	v13 =	vsub.f32 v13, v15;
	v15 =	vsub.f32 v16, v17;
	v11 =	vmul.f32 v23, v11;
	v16 =	vld [tilespmem:s17+$0xC6D0]  }
0x177: {  	v9 =	vmul.f32 v14, v9;
	v10 =	vmul.f32 v25, v10;
	v14 =	vld [tilespmem:s17+$0xCAD0]  }
0x178: {  	v13 =	vand.u32 $0x7FFFFFFF, v13;
	v15 =	vand.u32 $0x7FFFFFFF, v15;
	v11 =	vsub.f32 v12, v11;
	v12 =	vld [tilespmem:s17+$0xC6E0]  }
0x179: {  	v13 =	vadd.f32 v15, v13;
	v8 =	vmul.f32 v19, v8;
	v15 =	vld [tilespmem:s17+$0xCAE0]  }
0x17a: {  	v9 =	vsub.f32 v9, v10;
	v11 =	vand.u32 $0x7FFFFFFF, v11;
	v10 =	vmul.f32 v20, v18;
	v17 =	vld [tilespmem:s17+$0xC6F0]  }
0x17b: {  	s10 =	sadd.s32 $0x80, s10;
	v11 =	vadd.f32 v11, v13;
	v7 =	vmul.f32 v16, v7;
	v13 =	vld [tilespmem:s17+$0xCAF0]  }
0x17c: {  	s9 =	sadd.s32 $0x80, s9;
	v9 =	vand.u32 $0x7FFFFFFF, v9;
	v16 =	vld [tilespmem:s10+$0x30];
	v8 =	vsub.f32 v8, v10;
	v6 =	vmul.f32 v14, v6  }
0x17d: {  	v10 =	vld [tilespmem:s9+$0x30];
	v9 =	vadd.f32 v9, v11;
	v11 =	vmul.f32 v12, v3  }
0x17e: {  	v3 =	vld [tilespmem:s10+$0x20];
	v8 =	vand.u32 $0x7FFFFFFF, v8;
	v6 =	vsub.f32 v7, v6;
	v12 =	vmul.f32 v15, v4  }
0x17f: {  	v4 =	vld [tilespmem:s9+$0x20];
	v8 =	vadd.f32 v8, v9;
	v9 =	vmul.f32 v17, v1  }
0x180: {  	v7 =	vld [tilespmem:s10+$0x10];
	v14 =	vand.u32 $0x7FFFFFFF, v6;
	v11 =	vsub.f32 v11, v12;
	v15 =	vmul.f32 v13, v2  }
0x181: {  	v6 =	vld [tilespmem:s9+$0x10];
	v12 =	vadd.f32 v14, v8;
	s17 =	spop (v2sf);
	v1 =	vmov v16  }
0x182: {  	v14 =	vmov s6;
	s6 =	smov.u32 s8;
	s8 =	smov.u32 s28;
	v8 =	vld [tilespmem:s10+$0x0];
	v11 =	vand.u32 $0x7FFFFFFF, v11;
	v13 =	vsub.f32 v9, v15;
	s17 =	ssub.f32 $1.200000000e+01, s17;
	v2 =	vmovc v10  }
0x183: {  	vm0 =	veq.s32 v14, v0;
	v9 =	vld [tilespmem:s10+$0xFFFFFFF0];
	v11 =	vadd.f32 v11, v12  }
0x184: {  	v10 =	vld [tilespmem:s9+$0xFFFFFFF0];
	v13 =	vand.u32 $0x7FFFFFFF, v13;
	v5 =	vsel vm0, s17, v5  }
0x185: {  	v12 =	vld [tilespmem:s10+$0xFFFFFFE0];
	v14 =	vadd.f32 v13, v11  }
0x186: {  	v11 =	vld [tilespmem:s9+$0xFFFFFFE0]  }
0x187: {  	v13 =	vld [tilespmem:s10+$0xFFFFFFC0];
	(xrf2) =	vadd.scan.msk.f32 $0xffff, v14  }
0x188: {  	s3 =	sadd.s32 $0x80, s3;
	s11 =	sadd.s32 $0x100, s11;
	v15 =	vld [tilespmem:s9+$0xFFFFFFC0]  }
.Ltmp5:
0x189: {  	s18 =	sand.u32 $0x380, s3;
	s17 =	sand.u32 $0x7800, s11;
	v16 =	vld [tilespmem:s10+$0xFFFFFFD0];
	(pc) =	sbr.rel @p0 .LBB2_13-.Ltmp5, $4  }
0x18a: {  	s17 =	sor.u32 s18, s17;
	v17 =	vld [tilespmem:s9+$0xFFFFFFD0]  }
0x18b: {  	v14 =	vld [tilespmem:s17+$0xC6B0]  }
0x18c: {  	v18 =	vld [tilespmem:s17+$0xC680]  }
0x18d: {  	s28 =	sadd.s32 $0x1, s28;
	v19 =	vld [tilespmem:s17+$0xCA80]  }
0x18e: {  	v20 =	vld [tilespmem:s17+$0xC690]  }
0x18f: {  	v21 =	vld [tilespmem:s17+$0xCA90]  }
0x190: {  	v22 =	vld [tilespmem:s17+$0xC6A0]  }
0x191: {  	v23 =	vld [tilespmem:s17+$0xCAA0]  }
0x192: {  	v24 =	vld [tilespmem:s17+$0xCAB0]  }
0x193: {  	v51 =	vld [tilespmem:s9+$0x0];
	v13 =	vmul.f32 v18, v13;
	v15 =	vmul.f32 v19, v15  }
0x194: {  	v52 =	vld [tilespmem:s17+$0xC6C0];
	v16 =	vmul.f32 v20, v16;
	v17 =	vmul.f32 v21, v17  }
0x195: {  	v53 =	vld [tilespmem:s17+$0xCAC0];
	v12 =	vmul.f32 v22, v12  }
0x196: {  	v55 =	vld [tilespmem:s17+$0xC6D0];
	v11 =	vmul.f32 v23, v11;
	v13 =	vsub.f32 v13, v15;
	v54 =	vsub.f32 v16, v17  }
0x197: {  	v56 =	vld [tilespmem:s17+$0xCAD0];
	v9 =	vmul.f32 v14, v9;
	v10 =	vmul.f32 v24, v10  }
0x198: {  	v57 =	vld [tilespmem:s17+$0xC6E0];
	v11 =	vsub.f32 v12, v11;
	v13 =	vand.u32 $0x7FFFFFFF, v13;
	v15 =	vand.u32 $0x7FFFFFFF, v54  }
0x199: {  	v58 =	vld [tilespmem:s17+$0xCAE0];
	v8 =	vmul.f32 v52, v8;
	v13 =	vadd.f32 v15, v13  }
0x19a: {  	v60 =	vld [tilespmem:s17+$0xC6F0];
	v59 =	vmul.f32 v53, v51;
	v9 =	vsub.f32 v9, v10;
	v11 =	vand.u32 $0x7FFFFFFF, v11  }
0x19b: {  	v61 =	vld [tilespmem:s17+$0xCAF0];
	v7 =	vmul.f32 v55, v7;
	v11 =	vadd.f32 v11, v13  }
0x19c: {  	v6 =	vmul.f32 v56, v6;
	v8 =	vsub.f32 v8, v59;
	v9 =	vand.u32 $0x7FFFFFFF, v9  }
0x19d: {  	v3 =	vmul.f32 v57, v3;
	v9 =	vadd.f32 v9, v11  }
0x19e: {  	v4 =	vmul.f32 v58, v4;
	v6 =	vsub.f32 v7, v6;
	v8 =	vand.u32 $0x7FFFFFFF, v8  }
0x19f: {  	v1 =	vmul.f32 v60, v1;
	v62 =	vadd.f32 v8, v9  }
0x1a0: {  	v2 =	vmul.f32 v61, v2;
	v3 =	vsub.f32 v3, v4;
	v6 =	vand.u32 $0x7FFFFFFF, v6  }
0x1a1: {  	v63 =	vadd.f32 v6, v62  }
0x1a2: {  	v1 =	vsub.f32 v1, v2;
	v3 =	vand.u32 $0x7FFFFFFF, v3  }
0x1a3: {  	v2 =	vadd.f32 v3, v63  }
0x1a4: {  	v1 =	vand.u32 $0x7FFFFFFF, v1  }
0x1a5: {  	v1 =	vadd.f32 v1, v2;
	_ =	sdelay $0x1  }
0x1a6: {  	(xrf2) =	vadd.scan.msk.f32 $0xffff, v1;
	_ =	sdelay $0x7  }
0x1a7: {  	v1, _, _ =	vpop (xrf2)  }
0x1a8: {  	(v2sf) =	vpush v1, $0xF  }
0x1a9: {  	v1, _, _ =	vpop (xrf2)  }
0x1aa: {  	(v2sf) =	vpush v1, $0xF;
	_ =	sdelay $0xc  }
0x1ab: {  	s30 =	sshll.u32 s7, $0x4;
	s7 =	sadd.s32 $0x1, s7;
	s3 =	spop (v2sf)  }
0x1ac: {  	p0 =	sne.s32 s7, $0x5;
	s3 =	ssub.f32 $1.200000000e+01, s3  }
.Ltmp6:
0x1ad: {  	v1 =	vmov s6;
	s29 =	spop (v2sf);
	(pc) =	sbr.rel @p0 .LBB2_12-.Ltmp6, $4  }
0x1ae: {  	vm0 =	veq.s32 v1, v0;
	v1 =	vmov s8;
	s6 =	ssub.f32 $1.200000000e+01, s29  }
0x1af: {  	vm15 =	veq.s32 v1, v0;
	v2 =	vsel vm0, s3, v5  }
0x1b0: {  	s31 =	sand.u32 $0x3FFFFFF0, s30;
	v1 =	vsel vm15, s6, v2  }
0x1b1: {  	s12 =	sadd.s32 $0x1000, s12;
	s0 =	sadd.s32 $0x800, s0;
	s26 =	sadd.s32 $0x800, s26;
	[tilespmem:s31+$0x75C0] =	vst v1  }
0x1b2: {  	s8 =	simm.s32 $0x0;
	s0 =	rddreg [dreg:$0x6];
	s1 =	simm.s32 $0x4F00  }
0x1b3: {  	[hbm4b:s0+s8] =	stream.linear.scatter [tilespmem:s1], [sflag:$0x7], $0x2710, $0x38;
	[tilespmem:$0x1B680] =	vst v63  }
0x1b4: {  	s1 =	simm.s32 $0x7  }
0x1b5: {  	_ =	swait.ge [sflag:s1], $0x2710  }
0x1b6: {  	s3 =	rddreg [dreg:$0x8]  }
0x1b7: {  	s31 =	rddreg [dreg:$0x7];
	s3 =	sadd.s32 $0x1, s3  }
0x1b8: {  	p0 =	sne.s32 s3, s31  }
.Ltmp7:
0x1b9: {  	_ = 	snop;
	(pc) =	sbr.rel @p0 .LBB2_1-.Ltmp7, $3  }
0x1ba: {  	_ =	sdelay $0x1  }
0x1bb: {  	[sflag:s1] =	ssyncset.done $0x0  }
0x1bc: {  	[sflag:s1] =	ssyncadd.s32 $0xFFFFD8F0  }
0x1bd: {  	_ =	sfence.sel $0x180000  }
0x1be: {  	[bflag:$0x0] =	sbarrier.arrive $0xFFFF  }
0x1bf: {  	_ =	strace $0x90000047  }
0x1c0: {  	s0 =	stileid.u32;
	[bflag:$0x2] =	sbarrier.arrive $0xFFFF  }
0x1c1: {  	p0 =	sne.s32 s0, $0x0;
	s0 =	rddreg [dreg:$0x2]  }
0x1c2: {  	s0 =	sadd.s32 @!p0 $0x100000, s0  }
0x1c3: {  	[sflag:s0] =	ssyncadd.tile.s32 @!p0 $0x1;
	_ =	shalt  }
.Lfunc_end2:
_tile_overlayer_lowered:
.L_overlay_start_2:
0x1c4: {  	(tag) =	ssettag $0x2  }
0x1c5: {  	s0 =	rddreg [dreg:$0x0];
	s2 =	stileid.u32  }
0x1c6: {  	s1 =	rddreg [dreg:$0x1];
	p0 =	sne.s32 s2, $0x0  }
0x1c7: {  	s3 =	rddreg [dreg:$0x2];
	[bflag:$0x3] =	sbarrier.arrive $0xFFFF;
	s2 =	simm.s32 @!p0 $0x1C07  }
0x1c8: {  	[timem:s3], [sflag:s2] =	dma.local @!p0 [hbm:s0], s1  }
0x1c9: {  	s0 =	simm.s32 @!p0 $0x7  }
0x1ca: {  	_ =	swait.ge @!p0 [sflag:s0], s1  }
0x1cb: {  	s1 =	ssub.s32 @!p0 $0x0, s1;
	[sflag:s0] =	ssyncset.done @!p0 $0x0  }
0x1cc: {  	[sflag:s0] =	ssyncadd.s32 @!p0 s1  }
0x1cd: {  	[bflag:$0x3] =	sbarrier.arrive $0xFFFF  }
0x1ce: {  	_ =	shalt  }

</sc_bundles>
